<compile_context>
chip_gen: v7x
topology: tpu7x:2x2x1
jax: 0.10.2.dev20260603
libtpu: 0.0.44.dev20260713+nightly
codegen_flags: <defaults>
</compile_context>

<pallas_src>
import functools

import jax
import jax.numpy as jnp
import numpy as np
from jax import lax
from jax.experimental import pallas as pl
from jax.experimental.pallas import tpu as pltpu
from jax.experimental.pallas import tpu_sc as plsc

_NC, _NS = 2, 16
_NW = _NC * _NS
_L = 16

_B, _F, _D = 16384, 26, 16
_VOCAB = 2600000
_TOTAL = _B * _F


def _mesh():
    return plsc.VectorSubcoreMesh(core_axis_name="c", subcore_axis_name="s",
                                  num_cores=_NC, num_subcores=_NS)


_SC_PARAMS = pltpu.CompilerParams(use_tc_tiling_on_sc=True,
                                  needs_layout_passes=False)

_N_FULL = _VOCAB // 128
_TAIL_W = _VOCAB - _N_FULL * 128
_CH = 5
_CW = _CH * 128
_PER_W1 = -(-_N_FULL // _NW)
_NCHUNK1 = _PER_W1 // _CH
_CLAMP1 = (_N_FULL - _CH) * 128


@jax.jit
def _k1_transpose(table_t, tail_t):
    @functools.partial(
        pl.kernel,
        out_type=jax.ShapeDtypeStruct((_VOCAB * _D,), jnp.float32),
        mesh=_mesh(),
        scratch_types=[
            pltpu.VMEM((_D, _CW), jnp.float32),
            pltpu.VMEM((_D, _CW), jnp.float32),
            pltpu.VMEM((_CW * _D,), jnp.float32),
            pltpu.VMEM((_CW * _D,), jnp.float32),
            pltpu.VMEM((_D, _TAIL_W), jnp.float32),
            pltpu.SemaphoreType.DMA,
            pltpu.SemaphoreType.DMA,
            pltpu.SemaphoreType.DMA,
            pltpu.SemaphoreType.DMA,
        ],
        compiler_params=_SC_PARAMS,
    )
    def k(tt_hbm, tail_hbm, out_hbm, slab_a, slab_b, rows_a, rows_b,
          tail_v, isem_a, isem_b, osem_a, osem_b):
        wid = lax.axis_index("s") * _NC + lax.axis_index("c")
        d_iota = lax.iota(jnp.int32, _L)
        st_iota = lax.iota(jnp.int32, _L) * _D
        base_ct = wid * _PER_W1

        def start_col(c):
            return jnp.minimum((base_ct + c * _CH) * 128, _CLAMP1)

        def fire_in(c, slab, isem):
            s = pl.multiple_of(start_col(c), 128)
            pltpu.async_copy(tt_hbm.at[:, pl.ds(s, _CW)], slab, isem)

        def wait_in(slab, isem):
            pltpu.make_async_copy(tt_hbm.at[:, pl.ds(0, _CW)], slab,
                                  isem).wait()

        def transpose(slab, rows):
            def _tl(lg, c2):
                base = lg * (_L * _D)
                for d in range(_D):
                    vals = slab[d, pl.ds(lg * _L, _L)]
                    plsc.store_scatter(rows, [base + d + st_iota], vals)
                return c2
            lax.fori_loop(0, _CW // _L, _tl, 0, unroll=2)

        def fire_out(c, rows, osem):
            s = start_col(c)
            pltpu.async_copy(rows, out_hbm.at[pl.ds(s * _D, _CW * _D)],
                             osem)

        def wait_out(rows, osem):
            pltpu.make_async_copy(rows, out_hbm.at[pl.ds(0, _CW * _D)],
                                  osem).wait()

        fire_in(0, slab_a, isem_a)

        def pair(p, carry):
            c0 = 2 * p
            wait_in(slab_a, isem_a)
            fire_in(c0 + 1, slab_b, isem_b)

            @pl.when(p > 0)
            def _():
                wait_out(rows_a, osem_a)
            transpose(slab_a, rows_a)
            fire_out(c0, rows_a, osem_a)

            wait_in(slab_b, isem_b)

            @pl.when(c0 + 2 < _NCHUNK1)
            def _():
                fire_in(c0 + 2, slab_a, isem_a)

            @pl.when(p > 0)
            def _():
                wait_out(rows_b, osem_b)
            transpose(slab_b, rows_b)
            fire_out(c0 + 1, rows_b, osem_b)
            return carry

        lax.fori_loop(0, (_NCHUNK1 - 1) // 2, pair, 0)

        wait_in(slab_a, isem_a)
        wait_out(rows_a, osem_a)
        transpose(slab_a, rows_a)
        fire_out(_NCHUNK1 - 1, rows_a, osem_a)
        wait_out(rows_a, osem_a)
        wait_out(rows_b, osem_b)

        @pl.when(wid == _NW - 1)
        def _():
            pltpu.sync_copy(tail_hbm, tail_v)

            def _tl(l, c2):
                vals = plsc.load_gather(
                    tail_v, [d_iota, jnp.full((_L,), l, jnp.int32)])
                rows_a[pl.ds(l * _D, _D)] = vals
                return c2
            lax.fori_loop(0, _TAIL_W, _tl, 0, unroll=8)
            pltpu.async_copy(
                rows_a.at[pl.ds(0, _TAIL_W * _D)],
                out_hbm.at[pl.ds(_N_FULL * 128 * _D, _TAIL_W * _D)],
                osem_a).wait()

    return k(table_t, tail_t)


_PER_W2 = _TOTAL // _NW
_RC = _PER_W2 // 8


@jax.jit
def _k2_gather(x_flat, offs_flat, table_rm):
    @functools.partial(
        pl.kernel,
        out_type=jax.ShapeDtypeStruct((_TOTAL, _D), jnp.float32),
        mesh=_mesh(),
        scratch_types=[
            pltpu.VMEM((_PER_W2,), jnp.int32),
            pltpu.VMEM((_PER_W2,), jnp.int32),
            pltpu.VMEM((2, _RC, _D), jnp.float32),
            pltpu.SemaphoreType.DMA,
            pltpu.SemaphoreType.DMA,
        ],
        compiler_params=pltpu.CompilerParams(use_tc_tiling_on_sc=False),
    )
    def k(x_hbm, offs_hbm, table_hbm, out_hbm, idx_v, offs_v, rows_v,
          gsem, ssem):
        wid = lax.axis_index("s") * _NC + lax.axis_index("c")
        base = wid * _PER_W2
        pltpu.sync_copy(x_hbm.at[pl.ds(base, _PER_W2)], idx_v)
        pltpu.sync_copy(offs_hbm.at[pl.ds(base, _PER_W2)], offs_v)

        unroll = 8
        def add_body(i, carry):
            for u in range(unroll):
                s = pl.ds(i * (unroll * _L) + u * _L, _L)
                idx_v[s] = idx_v[s] + offs_v[s]
            return carry
        lax.fori_loop(0, _PER_W2 // (unroll * _L), add_body, 0)

        for c in range(_PER_W2 // _RC):
            buf = rows_v.at[c % 2]
            pltpu.async_copy(
                table_hbm.at[idx_v.at[pl.ds(c * _RC, _RC)]], buf, gsem
            ).wait()
            pltpu.async_copy(
                buf, out_hbm.at[pl.ds(base + c * _RC, _RC)], ssem
            ).wait()

    return k(x_flat, offs_flat, table_rm)


_CB = 1024
_UNITS = _F * (_B // _CB)
_PER_W3 = _UNITS // _NW


@jax.jit
def _k3_assemble(rows_flat):
    @functools.partial(
        pl.kernel,
        out_type=jax.ShapeDtypeStruct((_F, _D, _B), jnp.float32),
        mesh=_mesh(),
        scratch_types=[
            pltpu.VMEM((_CB * _D,), jnp.float32),
            pltpu.VMEM((_CB * _D,), jnp.float32),
            pltpu.VMEM((_D * _CB,), jnp.float32),
            pltpu.VMEM((_D * _CB,), jnp.float32),
            pltpu.SemaphoreType.DMA,
            pltpu.SemaphoreType.DMA,
            pltpu.SemaphoreType.DMA,
            pltpu.SemaphoreType.DMA,
        ],
        compiler_params=_SC_PARAMS,
    )
    def k(rows_hbm, out_hbm, rbuf_a, rbuf_b, slab_a, slab_b,
          isem_a, isem_b, osem_a, osem_b):
        wid = lax.axis_index("s") * _NC + lax.axis_index("c")
        d_off = lax.iota(jnp.int32, _L) * _CB

        def fire_in(i, rbuf, isem):
            u = wid * _PER_W3 + i
            pltpu.async_copy(rows_hbm.at[pl.ds(u * _CB * _D, _CB * _D)],
                             rbuf, isem)

        def wait_in(rbuf, isem):
            pltpu.make_async_copy(rows_hbm.at[pl.ds(0, _CB * _D)], rbuf,
                                  isem).wait()

        def transpose(rbuf, slab):
            def _tj(j, c2):
                vals = rbuf[pl.ds(j * _D, _D)]
                plsc.store_scatter(slab, [j + d_off], vals)
                return c2
            lax.fori_loop(0, _CB, _tj, 0, unroll=8)

        def fire_out(i, slab, osem):
            u = wid * _PER_W3 + i
            f = u // (_B // _CB)
            cb = u % (_B // _CB)
            for d in range(_D):
                pltpu.async_copy(slab.at[pl.ds(d * _CB, _CB)],
                                 out_hbm.at[f, d, pl.ds(cb * _CB, _CB)],
                                 osem)

        def wait_out(slab, osem):
            for d in range(_D):
                pltpu.make_async_copy(slab.at[pl.ds(d * _CB, _CB)],
                                      out_hbm.at[0, 0, pl.ds(0, _CB)],
                                      osem).wait()

        fire_in(0, rbuf_a, isem_a)

        def pair(p, carry):
            i0 = 2 * p
            wait_in(rbuf_a, isem_a)
            fire_in(i0 + 1, rbuf_b, isem_b)

            @pl.when(p > 0)
            def _():
                wait_out(slab_a, osem_a)
            transpose(rbuf_a, slab_a)
            fire_out(i0, slab_a, osem_a)

            wait_in(rbuf_b, isem_b)

            @pl.when(i0 + 2 < _PER_W3)
            def _():
                fire_in(i0 + 2, rbuf_a, isem_a)

            @pl.when(p > 0)
            def _():
                wait_out(slab_b, osem_b)
            transpose(rbuf_b, slab_b)
            fire_out(i0 + 1, slab_b, osem_b)
            return carry

        lax.fori_loop(0, (_PER_W3 - 1) // 2, pair, 0)

        wait_in(rbuf_a, isem_a)
        wait_out(slab_a, osem_a)
        transpose(rbuf_a, slab_a)
        fire_out(_PER_W3 - 1, slab_a, osem_a)
        wait_out(slab_a, osem_a)
        wait_out(slab_b, osem_b)

    return k(rows_flat)


_OFFS_FLAT = np.repeat(
    (np.arange(_F, dtype=np.int32) * (_VOCAB // _F)), _B)


def kernel(input_x, table):
    tail_t = table[_VOCAB - _TAIL_W:].T
    table_rm = _k1_transpose(table.T, tail_t)
    x_flat = input_x.T.astype(jnp.int32).reshape(-1)
    rows = _k2_gather(x_flat, jnp.asarray(_OFFS_FLAT),
                      table_rm.reshape(_VOCAB, _D))
    out = _k3_assemble(rows.reshape(-1))
    return out.transpose(2, 0, 1)

# --- scband reference (transcript-rebuilt; emitter-appended) ---
"""Pipeline reference for scband-fmembedding-2714419331117 (READ-ONLY COPY).

The authoritative reference and input builder live on the scoring server;
editing this copy changes nothing except your own understanding.
"""

import jax, jax.numpy as jnp
import numpy as np

FIELD_DIMS = [100000] * 26
OFFSETS = np.array([0, 100000, 200000, 300000, 400000, 500000, 600000, 700000, 800000, 900000, 1000000, 1100000, 1200000, 1300000, 1400000, 1500000, 1600000, 1700000, 1800000, 1900000, 2000000, 2100000, 2200000, 2300000, 2400000, 2500000], dtype=np.int64)
EMBED_DIM = 16
NUM_EMB = sum(FIELD_DIMS)  # 2_600_000


def setup_inputs(seed: int = 0) -> dict:
    key = jax.random.key(seed)
    k1, k2 = jax.random.split(key)
    input_x = jax.random.randint(k1, (16384, 26), 0, 100000, dtype=jnp.int64)
    # nn.Embedding default init: N(0, 1)
    table = jax.random.normal(k2, (NUM_EMB, EMBED_DIM), dtype=jnp.float32)
    return {"input_x": input_x, "table": table}


def reference(input_x, table):
    # input_x = input_x + offsets.unsqueeze(0)
    idx = input_x + jnp.asarray(OFFSETS, dtype=input_x.dtype)[None, :]
    # embedding lookup: (B, F) -> (B, F, D)
    output = jnp.take(table, idx, axis=0)
    return output

if __name__ == "__main__":
    import jax
    _d = setup_inputs()
    print(jax.jit(kernel)(*tuple(_d.values())))

</pallas_src>

<mosaic_0001>
#map = affine_map<(d0, d1) -> (0, 0)>
#map1 = affine_map<(d0, d1) -> (0)>
module attributes {stable_mosaic.version = 14 : i64} {
  func.func @k(%arg0: i32, %arg1: i32, %arg2: memref<16x2600000xf32, #tpu.memory_space<hbm>>, %arg3: memref<16x64xf32, #tpu.memory_space<hbm>>, %arg4: memref<41600000xf32, #tpu.memory_space<hbm>>, %arg5: memref<16x640xf32, #tpu.memory_space<vmem>>, %arg6: memref<16x640xf32, #tpu.memory_space<vmem>>, %arg7: memref<10240xf32, #tpu.memory_space<vmem>>, %arg8: memref<10240xf32, #tpu.memory_space<vmem>>, %arg9: memref<16x64xf32, #tpu.memory_space<vmem>>, %arg10: memref<!tpu.dma_semaphore, #tpu.memory_space<semaphore_mem>>, %arg11: memref<!tpu.dma_semaphore, #tpu.memory_space<semaphore_mem>>, %arg12: memref<!tpu.dma_semaphore, #tpu.memory_space<semaphore_mem>>, %arg13: memref<!tpu.dma_semaphore, #tpu.memory_space<semaphore_mem>>) attributes {dimension_semantics = [#tpu.dimension_semantics<core_parallel>, #tpu.dimension_semantics<subcore_parallel>], iteration_bounds = array<i64: 2, 16>, scalar_prefetch = 0 : i64, scratch_operands = 9 : i64, tpu.core_type = #tpu.core_type<sc_vector_subcore>, window_params = [{transform_indices = #map}, {transform_indices = #map}, {transform_indices = #map1}]} {
    %mul3A = arith.constant 2 : i32
    %mul3A_0 = arith.muli %arg1, %mul3A : i32
    %add3A = arith.addi %mul3A_0, %arg0 : i32
    %iota3A = tpu.iota {dimensions = array<i32: 0>} : vector<16xi32>
    %iota3A_1 = tpu.iota {dimensions = array<i32: 0>} : vector<16xi32>
    %mul3A_2 = arith.constant 16 : i32
    %mul3A_3 = vector.broadcast %mul3A_2 : i32 to vector<16xi32>
    %mul3A_4 = arith.muli %iota3A_1, %mul3A_3 : vector<16xi32>
    %mul3A_5 = arith.constant 635 : i32
    %mul3A_6 = arith.muli %add3A, %mul3A_5 : i32
    %add3A_7 = arith.constant 0 : i32
    %add3A_8 = arith.addi %mul3A_6, %add3A_7 : i32
    %mul3A_9 = arith.constant 128 : i32
    %mul3A_10 = arith.muli %add3A_8, %mul3A_9 : i32
    %min3A = arith.constant 2599296 : i32
    %min3A_11 = arith.minsi %mul3A_10, %min3A : i32
    %multiple_of3A = tpu.assume_multiple %min3A_11, 128 : i32
    %dma_start3A = arith.constant 0 : i32
    %dma_start3A_12 = tpu.memref_slice %arg2[%dma_start3A, %multiple_of3A] : memref<16x2600000xf32, #tpu.memory_space<hbm>> -> memref<16x640xf32, #tpu.memory_space<hbm>>
    %dma_start3A_13 = arith.constant 0 : i32
    %dma_start3A_14 = tpu.memref_slice %arg2[%dma_start3A_13, %multiple_of3A] : memref<16x2600000xf32, #tpu.memory_space<hbm>> -> memref<16x640xf32, #tpu.memory_space<hbm>>
    tpu.enqueue_dma source(%dma_start3A_14 : memref<16x640xf32, #tpu.memory_space<hbm>>) target(%arg5 : memref<16x640xf32, #tpu.memory_space<vmem>>) target_semaphore(%arg10 : memref<!tpu.dma_semaphore, #tpu.memory_space<semaphore_mem>>)
    %scan3A = arith.constant 0 : i32
    %scan3A_15 = arith.constant 0 : i32
    %scan3A_16 = arith.constant 63 : i32
    %scan3A_17 = arith.addi %scan3A_15, %scan3A_16 : i32
    %scan3A_18 = arith.constant 1 : i32
    scf.for %scan3A_55 = %scan3A_15 to %scan3A_17 step %scan3A_18  : i32 {
      %mul3A_56 = arith.constant 2 : i32
      %mul3A_57 = arith.muli %mul3A_56, %scan3A_55 : i32
      %dma_wait3A_58 = arith.constant 0 : i32
      %dma_wait3A_59 = arith.constant 0 : i32
      %dma_wait3A_60 = tpu.memref_slice %arg2[%dma_wait3A_58, %dma_wait3A_59] : memref<16x2600000xf32, #tpu.memory_space<hbm>> -> memref<16x640xf32, #tpu.memory_space<hbm>>
      %dma_wait3A_61 = arith.constant 0 : i32
      %dma_wait3A_62 = arith.constant 0 : i32
      %dma_wait3A_63 = tpu.memref_slice %arg2[%dma_wait3A_61, %dma_wait3A_62] : memref<16x2600000xf32, #tpu.memory_space<hbm>> -> memref<16x640xf32, #tpu.memory_space<hbm>>
      tpu.wait_dma2 semaphore(%arg10 : memref<!tpu.dma_semaphore, #tpu.memory_space<semaphore_mem>>) src(%dma_wait3A_63 : memref<16x640xf32, #tpu.memory_space<hbm>>) dst(%arg5 : memref<16x640xf32, #tpu.memory_space<vmem>>)
      %add3A_64 = arith.constant 1 : i32
      %add3A_65 = arith.addi %mul3A_57, %add3A_64 : i32
      %mul3A_66 = arith.constant 5 : i32
      %mul3A_67 = arith.muli %add3A_65, %mul3A_66 : i32
      %add3A_68 = arith.addi %mul3A_6, %mul3A_67 : i32
      %mul3A_69 = arith.constant 128 : i32
      %mul3A_70 = arith.muli %add3A_68, %mul3A_69 : i32
      %min3A_71 = arith.constant 2599296 : i32
      %min3A_72 = arith.minsi %mul3A_70, %min3A_71 : i32
      %multiple_of3A_73 = tpu.assume_multiple %min3A_72, 128 : i32
      %dma_start3A_74 = arith.constant 0 : i32
      %dma_start3A_75 = tpu.memref_slice %arg2[%dma_start3A_74, %multiple_of3A_73] : memref<16x2600000xf32, #tpu.memory_space<hbm>> -> memref<16x640xf32, #tpu.memory_space<hbm>>
      %dma_start3A_76 = arith.constant 0 : i32
      %dma_start3A_77 = tpu.memref_slice %arg2[%dma_start3A_76, %multiple_of3A_73] : memref<16x2600000xf32, #tpu.memory_space<hbm>> -> memref<16x640xf32, #tpu.memory_space<hbm>>
      tpu.enqueue_dma source(%dma_start3A_77 : memref<16x640xf32, #tpu.memory_space<hbm>>) target(%arg6 : memref<16x640xf32, #tpu.memory_space<vmem>>) target_semaphore(%arg11 : memref<!tpu.dma_semaphore, #tpu.memory_space<semaphore_mem>>)
      %gt3A = arith.constant 0 : i32
      %gt3A_78 = arith.cmpi sgt, %scan3A_55, %gt3A : i32
      %convert_element_type3A_79 = arith.extui %gt3A_78 : i1 to i32
      %cond3A_80 = arith.constant 0 : i32
      %cond3A_81 = arith.cmpi ne, %convert_element_type3A_79, %cond3A_80 : i32
      scf.if %cond3A_81 {
        %dma_wait3A_135 = arith.constant 0 : i32
        %dma_wait3A_136 = tpu.memref_slice %arg4[%dma_wait3A_135] : memref<41600000xf32, #tpu.memory_space<hbm>> -> memref<10240xf32, #tpu.memory_space<hbm>>
        %dma_wait3A_137 = arith.constant 0 : i32
        %dma_wait3A_138 = tpu.memref_slice %arg4[%dma_wait3A_137] : memref<41600000xf32, #tpu.memory_space<hbm>> -> memref<10240xf32, #tpu.memory_space<hbm>>
        tpu.wait_dma2 semaphore(%arg12 : memref<!tpu.dma_semaphore, #tpu.memory_space<semaphore_mem>>) src(%arg7 : memref<10240xf32, #tpu.memory_space<vmem>>) dst(%dma_wait3A_138 : memref<10240xf32, #tpu.memory_space<hbm>>)
      } else {
      }
      %scan3A_82 = arith.constant 0 : i32
      %scan3A_83 = arith.constant 0 : i32
      %scan3A_84 = arith.constant 40 : i32
      %scan3A_85 = arith.addi %scan3A_83, %scan3A_84 : i32
      %scan3A_86 = arith.constant 2 : i32
      scf.for %scan3A_135 = %scan3A_83 to %scan3A_85 step %scan3A_86  : i32 {
        %mul3A_136 = arith.constant 256 : i32
        %mul3A_137 = arith.muli %scan3A_135, %mul3A_136 : i32
        %mul3A_138 = arith.constant 16 : i32
        %mul3A_139 = arith.muli %scan3A_135, %mul3A_138 : i32
        %get3A = arith.constant 0 : i32
        %get3A_140 = arith.index_cast %get3A : i32 to index
        %get3A_141 = arith.index_cast %mul3A_139 : i32 to index
        %get3A_142 = tpu.vector_load %arg5[%get3A_140, %get3A_141] {strides = array<i32>} : memref<16x640xf32, #tpu.memory_space<vmem>>, vector<16xf32>,
        %add3A_143 = arith.constant 0 : i32
        %add3A_144 = arith.addi %mul3A_137, %add3A_143 : i32
        %add3A_145 = vector.broadcast %add3A_144 : i32 to vector<16xi32>
        %add3A_146 = arith.addi %add3A_145, %mul3A_4 : vector<16xi32>
        tpu.vector_store_idx %arg7[%add3A_146], %get3A_142 : memref<10240xf32, #tpu.memory_space<vmem>>[vector<16xi32>], vector<16xf32>,
        %mul3A_147 = arith.constant 16 : i32
        %mul3A_148 = arith.muli %scan3A_135, %mul3A_147 : i32
        %get3A_149 = arith.constant 1 : i32
        %get3A_150 = arith.index_cast %get3A_149 : i32 to index
        %get3A_151 = arith.index_cast %mul3A_148 : i32 to index
        %get3A_152 = tpu.vector_load %arg5[%get3A_150, %get3A_151] {strides = array<i32>} : memref<16x640xf32, #tpu.memory_space<vmem>>, vector<16xf32>,
        %add3A_153 = arith.constant 1 : i32
        %add3A_154 = arith.addi %mul3A_137, %add3A_153 : i32
        %add3A_155 = vector.broadcast %add3A_154 : i32 to vector<16xi32>
        %add3A_156 = arith.addi %add3A_155, %mul3A_4 : vector<16xi32>
        tpu.vector_store_idx %arg7[%add3A_156], %get3A_152 : memref<10240xf32, #tpu.memory_space<vmem>>[vector<16xi32>], vector<16xf32>,
        %mul3A_157 = arith.constant 16 : i32
        %mul3A_158 = arith.muli %scan3A_135, %mul3A_157 : i32
        %get3A_159 = arith.constant 2 : i32
        %get3A_160 = arith.index_cast %get3A_159 : i32 to index
        %get3A_161 = arith.index_cast %mul3A_158 : i32 to index
        %get3A_162 = tpu.vector_load %arg5[%get3A_160, %get3A_161] {strides = array<i32>} : memref<16x640xf32, #tpu.memory_space<vmem>>, vector<16xf32>,
        %add3A_163 = arith.constant 2 : i32
        %add3A_164 = arith.addi %mul3A_137, %add3A_163 : i32
        %add3A_165 = vector.broadcast %add3A_164 : i32 to vector<16xi32>
        %add3A_166 = arith.addi %add3A_165, %mul3A_4 : vector<16xi32>
        tpu.vector_store_idx %arg7[%add3A_166], %get3A_162 : memref<10240xf32, #tpu.memory_space<vmem>>[vector<16xi32>], vector<16xf32>,
        %mul3A_167 = arith.constant 16 : i32
        %mul3A_168 = arith.muli %scan3A_135, %mul3A_167 : i32
        %get3A_169 = arith.constant 3 : i32
        %get3A_170 = arith.index_cast %get3A_169 : i32 to index
        %get3A_171 = arith.index_cast %mul3A_168 : i32 to index
        %get3A_172 = tpu.vector_load %arg5[%get3A_170, %get3A_171] {strides = array<i32>} : memref<16x640xf32, #tpu.memory_space<vmem>>, vector<16xf32>,
        %add3A_173 = arith.constant 3 : i32
        %add3A_174 = arith.addi %mul3A_137, %add3A_173 : i32
        %add3A_175 = vector.broadcast %add3A_174 : i32 to vector<16xi32>
        %add3A_176 = arith.addi %add3A_175, %mul3A_4 : vector<16xi32>
        tpu.vector_store_idx %arg7[%add3A_176], %get3A_172 : memref<10240xf32, #tpu.memory_space<vmem>>[vector<16xi32>], vector<16xf32>,
        %mul3A_177 = arith.constant 16 : i32
        %mul3A_178 = arith.muli %scan3A_135, %mul3A_177 : i32
        %get3A_179 = arith.constant 4 : i32
        %get3A_180 = arith.index_cast %get3A_179 : i32 to index
        %get3A_181 = arith.index_cast %mul3A_178 : i32 to index
        %get3A_182 = tpu.vector_load %arg5[%get3A_180, %get3A_181] {strides = array<i32>} : memref<16x640xf32, #tpu.memory_space<vmem>>, vector<16xf32>,
        %add3A_183 = arith.constant 4 : i32
        %add3A_184 = arith.addi %mul3A_137, %add3A_183 : i32
        %add3A_185 = vector.broadcast %add3A_184 : i32 to vector<16xi32>
        %add3A_186 = arith.addi %add3A_185, %mul3A_4 : vector<16xi32>
        tpu.vector_store_idx %arg7[%add3A_186], %get3A_182 : memref<10240xf32, #tpu.memory_space<vmem>>[vector<16xi32>], vector<16xf32>,
        %mul3A_187 = arith.constant 16 : i32
        %mul3A_188 = arith.muli %scan3A_135, %mul3A_187 : i32
        %get3A_189 = arith.constant 5 : i32
        %get3A_190 = arith.index_cast %get3A_189 : i32 to index
        %get3A_191 = arith.index_cast %mul3A_188 : i32 to index
        %get3A_192 = tpu.vector_load %arg5[%get3A_190, %get3A_191] {strides = array<i32>} : memref<16x640xf32, #tpu.memory_space<vmem>>, vector<16xf32>,
        %add3A_193 = arith.constant 5 : i32
        %add3A_194 = arith.addi %mul3A_137, %add3A_193 : i32
        %add3A_195 = vector.broadcast %add3A_194 : i32 to vector<16xi32>
        %add3A_196 = arith.addi %add3A_195, %mul3A_4 : vector<16xi32>
        tpu.vector_store_idx %arg7[%add3A_196], %get3A_192 : memref<10240xf32, #tpu.memory_space<vmem>>[vector<16xi32>], vector<16xf32>,
        %mul3A_197 = arith.constant 16 : i32
        %mul3A_198 = arith.muli %scan3A_135, %mul3A_197 : i32
        %get3A_199 = arith.constant 6 : i32
        %get3A_200 = arith.index_cast %get3A_199 : i32 to index
        %get3A_201 = arith.index_cast %mul3A_198 : i32 to index
        %get3A_202 = tpu.vector_load %arg5[%get3A_200, %get3A_201] {strides = array<i32>} : memref<16x640xf32, #tpu.memory_space<vmem>>, vector<16xf32>,
        %add3A_203 = arith.constant 6 : i32
        %add3A_204 = arith.addi %mul3A_137, %add3A_203 : i32
        %add3A_205 = vector.broadcast %add3A_204 : i32 to vector<16xi32>
        %add3A_206 = arith.addi %add3A_205, %mul3A_4 : vector<16xi32>
        tpu.vector_store_idx %arg7[%add3A_206], %get3A_202 : memref<10240xf32, #tpu.memory_space<vmem>>[vector<16xi32>], vector<16xf32>,
        %mul3A_207 = arith.constant 16 : i32
        %mul3A_208 = arith.muli %scan3A_135, %mul3A_207 : i32
        %get3A_209 = arith.constant 7 : i32
        %get3A_210 = arith.index_cast %get3A_209 : i32 to index
        %get3A_211 = arith.index_cast %mul3A_208 : i32 to index
        %get3A_212 = tpu.vector_load %arg5[%get3A_210, %get3A_211] {strides = array<i32>} : memref<16x640xf32, #tpu.memory_space<vmem>>, vector<16xf32>,
        %add3A_213 = arith.constant 7 : i32
        %add3A_214 = arith.addi %mul3A_137, %add3A_213 : i32
        %add3A_215 = vector.broadcast %add3A_214 : i32 to vector<16xi32>
        %add3A_216 = arith.addi %add3A_215, %mul3A_4 : vector<16xi32>
        tpu.vector_store_idx %arg7[%add3A_216], %get3A_212 : memref<10240xf32, #tpu.memory_space<vmem>>[vector<16xi32>], vector<16xf32>,
        %mul3A_217 = arith.constant 16 : i32
        %mul3A_218 = arith.muli %scan3A_135, %mul3A_217 : i32
        %get3A_219 = arith.constant 8 : i32
        %get3A_220 = arith.index_cast %get3A_219 : i32 to index
        %get3A_221 = arith.index_cast %mul3A_218 : i32 to index
        %get3A_222 = tpu.vector_load %arg5[%get3A_220, %get3A_221] {strides = array<i32>} : memref<16x640xf32, #tpu.memory_space<vmem>>, vector<16xf32>,
        %add3A_223 = arith.constant 8 : i32
        %add3A_224 = arith.addi %mul3A_137, %add3A_223 : i32
        %add3A_225 = vector.broadcast %add3A_224 : i32 to vector<16xi32>
        %add3A_226 = arith.addi %add3A_225, %mul3A_4 : vector<16xi32>
        tpu.vector_store_idx %arg7[%add3A_226], %get3A_222 : memref<10240xf32, #tpu.memory_space<vmem>>[vector<16xi32>], vector<16xf32>,
        %mul3A_227 = arith.constant 16 : i32
        %mul3A_228 = arith.muli %scan3A_135, %mul3A_227 : i32
        %get3A_229 = arith.constant 9 : i32
        %get3A_230 = arith.index_cast %get3A_229 : i32 to index
        %get3A_231 = arith.index_cast %mul3A_228 : i32 to index
        %get3A_232 = tpu.vector_load %arg5[%get3A_230, %get3A_231] {strides = array<i32>} : memref<16x640xf32, #tpu.memory_space<vmem>>, vector<16xf32>,
        %add3A_233 = arith.constant 9 : i32
        %add3A_234 = arith.addi %mul3A_137, %add3A_233 : i32
        %add3A_235 = vector.broadcast %add3A_234 : i32 to vector<16xi32>
        %add3A_236 = arith.addi %add3A_235, %mul3A_4 : vector<16xi32>
        tpu.vector_store_idx %arg7[%add3A_236], %get3A_232 : memref<10240xf32, #tpu.memory_space<vmem>>[vector<16xi32>], vector<16xf32>,
        %mul3A_237 = arith.constant 16 : i32
        %mul3A_238 = arith.muli %scan3A_135, %mul3A_237 : i32
        %get3A_239 = arith.constant 10 : i32
        %get3A_240 = arith.index_cast %get3A_239 : i32 to index
        %get3A_241 = arith.index_cast %mul3A_238 : i32 to index
        %get3A_242 = tpu.vector_load %arg5[%get3A_240, %get3A_241] {strides = array<i32>} : memref<16x640xf32, #tpu.memory_space<vmem>>, vector<16xf32>,
        %add3A_243 = arith.constant 10 : i32
        %add3A_244 = arith.addi %mul3A_137, %add3A_243 : i32
        %add3A_245 = vector.broadcast %add3A_244 : i32 to vector<16xi32>
        %add3A_246 = arith.addi %add3A_245, %mul3A_4 : vector<16xi32>
        tpu.vector_store_idx %arg7[%add3A_246], %get3A_242 : memref<10240xf32, #tpu.memory_space<vmem>>[vector<16xi32>], vector<16xf32>,
        %mul3A_247 = arith.constant 16 : i32
        %mul3A_248 = arith.muli %scan3A_135, %mul3A_247 : i32
        %get3A_249 = arith.constant 11 : i32
        %get3A_250 = arith.index_cast %get3A_249 : i32 to index
        %get3A_251 = arith.index_cast %mul3A_248 : i32 to index
        %get3A_252 = tpu.vector_load %arg5[%get3A_250, %get3A_251] {strides = array<i32>} : memref<16x640xf32, #tpu.memory_space<vmem>>, vector<16xf32>,
        %add3A_253 = arith.constant 11 : i32
        %add3A_254 = arith.addi %mul3A_137, %add3A_253 : i32
        %add3A_255 = vector.broadcast %add3A_254 : i32 to vector<16xi32>
        %add3A_256 = arith.addi %add3A_255, %mul3A_4 : vector<16xi32>
        tpu.vector_store_idx %arg7[%add3A_256], %get3A_252 : memref<10240xf32, #tpu.memory_space<vmem>>[vector<16xi32>], vector<16xf32>,
        %mul3A_257 = arith.constant 16 : i32
        %mul3A_258 = arith.muli %scan3A_135, %mul3A_257 : i32
        %get3A_259 = arith.constant 12 : i32
        %get3A_260 = arith.index_cast %get3A_259 : i32 to index
        %get3A_261 = arith.index_cast %mul3A_258 : i32 to index
        %get3A_262 = tpu.vector_load %arg5[%get3A_260, %get3A_261] {strides = array<i32>} : memref<16x640xf32, #tpu.memory_space<vmem>>, vector<16xf32>,
        %add3A_263 = arith.constant 12 : i32
        %add3A_264 = arith.addi %mul3A_137, %add3A_263 : i32
        %add3A_265 = vector.broadcast %add3A_264 : i32 to vector<16xi32>
        %add3A_266 = arith.addi %add3A_265, %mul3A_4 : vector<16xi32>
        tpu.vector_store_idx %arg7[%add3A_266], %get3A_262 : memref<10240xf32, #tpu.memory_space<vmem>>[vector<16xi32>], vector<16xf32>,
        %mul3A_267 = arith.constant 16 : i32
        %mul3A_268 = arith.muli %scan3A_135, %mul3A_267 : i32
        %get3A_269 = arith.constant 13 : i32
        %get3A_270 = arith.index_cast %get3A_269 : i32 to index
        %get3A_271 = arith.index_cast %mul3A_268 : i32 to index
        %get3A_272 = tpu.vector_load %arg5[%get3A_270, %get3A_271] {strides = array<i32>} : memref<16x640xf32, #tpu.memory_space<vmem>>, vector<16xf32>,
        %add3A_273 = arith.constant 13 : i32
        %add3A_274 = arith.addi %mul3A_137, %add3A_273 : i32
        %add3A_275 = vector.broadcast %add3A_274 : i32 to vector<16xi32>
        %add3A_276 = arith.addi %add3A_275, %mul3A_4 : vector<16xi32>
        tpu.vector_store_idx %arg7[%add3A_276], %get3A_272 : memref<10240xf32, #tpu.memory_space<vmem>>[vector<16xi32>], vector<16xf32>,
        %mul3A_277 = arith.constant 16 : i32
        %mul3A_278 = arith.muli %scan3A_135, %mul3A_277 : i32
        %get3A_279 = arith.constant 14 : i32
        %get3A_280 = arith.index_cast %get3A_279 : i32 to index
        %get3A_281 = arith.index_cast %mul3A_278 : i32 to index
        %get3A_282 = tpu.vector_load %arg5[%get3A_280, %get3A_281] {strides = array<i32>} : memref<16x640xf32, #tpu.memory_space<vmem>>, vector<16xf32>,
        %add3A_283 = arith.constant 14 : i32
        %add3A_284 = arith.addi %mul3A_137, %add3A_283 : i32
        %add3A_285 = vector.broadcast %add3A_284 : i32 to vector<16xi32>
        %add3A_286 = arith.addi %add3A_285, %mul3A_4 : vector<16xi32>
        tpu.vector_store_idx %arg7[%add3A_286], %get3A_282 : memref<10240xf32, #tpu.memory_space<vmem>>[vector<16xi32>], vector<16xf32>,
        %mul3A_287 = arith.constant 16 : i32
        %mul3A_288 = arith.muli %scan3A_135, %mul3A_287 : i32
        %get3A_289 = arith.constant 15 : i32
        %get3A_290 = arith.index_cast %get3A_289 : i32 to index
        %get3A_291 = arith.index_cast %mul3A_288 : i32 to index
        %get3A_292 = tpu.vector_load %arg5[%get3A_290, %get3A_291] {strides = array<i32>} : memref<16x640xf32, #tpu.memory_space<vmem>>, vector<16xf32>,
        %add3A_293 = arith.constant 15 : i32
        %add3A_294 = arith.addi %mul3A_137, %add3A_293 : i32
        %add3A_295 = vector.broadcast %add3A_294 : i32 to vector<16xi32>
        %add3A_296 = arith.addi %add3A_295, %mul3A_4 : vector<16xi32>
        tpu.vector_store_idx %arg7[%add3A_296], %get3A_292 : memref<10240xf32, #tpu.memory_space<vmem>>[vector<16xi32>], vector<16xf32>,
        %scan3A_297 = arith.constant 1 : i32
        %scan3A_298 = arith.addi %scan3A_135, %scan3A_297 : i32
        %mul3A_299 = arith.constant 256 : i32
        %mul3A_300 = arith.muli %scan3A_298, %mul3A_299 : i32
        %mul3A_301 = arith.constant 16 : i32
        %mul3A_302 = arith.muli %scan3A_298, %mul3A_301 : i32
        %get3A_303 = arith.constant 0 : i32
        %get3A_304 = arith.index_cast %get3A_303 : i32 to index
        %get3A_305 = arith.index_cast %mul3A_302 : i32 to index
        %get3A_306 = tpu.vector_load %arg5[%get3A_304, %get3A_305] {strides = array<i32>} : memref<16x640xf32, #tpu.memory_space<vmem>>, vector<16xf32>,
        %add3A_307 = arith.constant 0 : i32
        %add3A_308 = arith.addi %mul3A_300, %add3A_307 : i32
        %add3A_309 = vector.broadcast %add3A_308 : i32 to vector<16xi32>
        %add3A_310 = arith.addi %add3A_309, %mul3A_4 : vector<16xi32>
        tpu.vector_store_idx %arg7[%add3A_310], %get3A_306 : memref<10240xf32, #tpu.memory_space<vmem>>[vector<16xi32>], vector<16xf32>,
        %mul3A_311 = arith.constant 16 : i32
        %mul3A_312 = arith.muli %scan3A_298, %mul3A_311 : i32
        %get3A_313 = arith.constant 1 : i32
        %get3A_314 = arith.index_cast %get3A_313 : i32 to index
        %get3A_315 = arith.index_cast %mul3A_312 : i32 to index
        %get3A_316 = tpu.vector_load %arg5[%get3A_314, %get3A_315] {strides = array<i32>} : memref<16x640xf32, #tpu.memory_space<vmem>>, vector<16xf32>,
        %add3A_317 = arith.constant 1 : i32
        %add3A_318 = arith.addi %mul3A_300, %add3A_317 : i32
        %add3A_319 = vector.broadcast %add3A_318 : i32 to vector<16xi32>
        %add3A_320 = arith.addi %add3A_319, %mul3A_4 : vector<16xi32>
        tpu.vector_store_idx %arg7[%add3A_320], %get3A_316 : memref<10240xf32, #tpu.memory_space<vmem>>[vector<16xi32>], vector<16xf32>,
        %mul3A_321 = arith.constant 16 : i32
        %mul3A_322 = arith.muli %scan3A_298, %mul3A_321 : i32
        %get3A_323 = arith.constant 2 : i32
        %get3A_324 = arith.index_cast %get3A_323 : i32 to index
        %get3A_325 = arith.index_cast %mul3A_322 : i32 to index
        %get3A_326 = tpu.vector_load %arg5[%get3A_324, %get3A_325] {strides = array<i32>} : memref<16x640xf32, #tpu.memory_space<vmem>>, vector<16xf32>,
        %add3A_327 = arith.constant 2 : i32
        %add3A_328 = arith.addi %mul3A_300, %add3A_327 : i32
        %add3A_329 = vector.broadcast %add3A_328 : i32 to vector<16xi32>
        %add3A_330 = arith.addi %add3A_329, %mul3A_4 : vector<16xi32>
        tpu.vector_store_idx %arg7[%add3A_330], %get3A_326 : memref<10240xf32, #tpu.memory_space<vmem>>[vector<16xi32>], vector<16xf32>,
        %mul3A_331 = arith.constant 16 : i32
        %mul3A_332 = arith.muli %scan3A_298, %mul3A_331 : i32
        %get3A_333 = arith.constant 3 : i32
        %get3A_334 = arith.index_cast %get3A_333 : i32 to index
        %get3A_335 = arith.index_cast %mul3A_332 : i32 to index
        %get3A_336 = tpu.vector_load %arg5[%get3A_334, %get3A_335] {strides = array<i32>} : memref<16x640xf32, #tpu.memory_space<vmem>>, vector<16xf32>,
        %add3A_337 = arith.constant 3 : i32
        %add3A_338 = arith.addi %mul3A_300, %add3A_337 : i32
        %add3A_339 = vector.broadcast %add3A_338 : i32 to vector<16xi32>
        %add3A_340 = arith.addi %add3A_339, %mul3A_4 : vector<16xi32>
        tpu.vector_store_idx %arg7[%add3A_340], %get3A_336 : memref<10240xf32, #tpu.memory_space<vmem>>[vector<16xi32>], vector<16xf32>,
        %mul3A_341 = arith.constant 16 : i32
        %mul3A_342 = arith.muli %scan3A_298, %mul3A_341 : i32
        %get3A_343 = arith.constant 4 : i32
        %get3A_344 = arith.index_cast %get3A_343 : i32 to index
        %get3A_345 = arith.index_cast %mul3A_342 : i32 to index
        %get3A_346 = tpu.vector_load %arg5[%get3A_344, %get3A_345] {strides = array<i32>} : memref<16x640xf32, #tpu.memory_space<vmem>>, vector<16xf32>,
        %add3A_347 = arith.constant 4 : i32
        %add3A_348 = arith.addi %mul3A_300, %add3A_347 : i32
        %add3A_349 = vector.broadcast %add3A_348 : i32 to vector<16xi32>
        %add3A_350 = arith.addi %add3A_349, %mul3A_4 : vector<16xi32>
        tpu.vector_store_idx %arg7[%add3A_350], %get3A_346 : memref<10240xf32, #tpu.memory_space<vmem>>[vector<16xi32>], vector<16xf32>,
        %mul3A_351 = arith.constant 16 : i32
        %mul3A_352 = arith.muli %scan3A_298, %mul3A_351 : i32
        %get3A_353 = arith.constant 5 : i32
        %get3A_354 = arith.index_cast %get3A_353 : i32 to index
        %get3A_355 = arith.index_cast %mul3A_352 : i32 to index
        %get3A_356 = tpu.vector_load %arg5[%get3A_354, %get3A_355] {strides = array<i32>} : memref<16x640xf32, #tpu.memory_space<vmem>>, vector<16xf32>,
        %add3A_357 = arith.constant 5 : i32
        %add3A_358 = arith.addi %mul3A_300, %add3A_357 : i32
        %add3A_359 = vector.broadcast %add3A_358 : i32 to vector<16xi32>
        %add3A_360 = arith.addi %add3A_359, %mul3A_4 : vector<16xi32>
        tpu.vector_store_idx %arg7[%add3A_360], %get3A_356 : memref<10240xf32, #tpu.memory_space<vmem>>[vector<16xi32>], vector<16xf32>,
        %mul3A_361 = arith.constant 16 : i32
        %mul3A_362 = arith.muli %scan3A_298, %mul3A_361 : i32
        %get3A_363 = arith.constant 6 : i32
        %get3A_364 = arith.index_cast %get3A_363 : i32 to index
        %get3A_365 = arith.index_cast %mul3A_362 : i32 to index
        %get3A_366 = tpu.vector_load %arg5[%get3A_364, %get3A_365] {strides = array<i32>} : memref<16x640xf32, #tpu.memory_space<vmem>>, vector<16xf32>,
        %add3A_367 = arith.constant 6 : i32
        %add3A_368 = arith.addi %mul3A_300, %add3A_367 : i32
        %add3A_369 = vector.broadcast %add3A_368 : i32 to vector<16xi32>
        %add3A_370 = arith.addi %add3A_369, %mul3A_4 : vector<16xi32>
        tpu.vector_store_idx %arg7[%add3A_370], %get3A_366 : memref<10240xf32, #tpu.memory_space<vmem>>[vector<16xi32>], vector<16xf32>,
        %mul3A_371 = arith.constant 16 : i32
        %mul3A_372 = arith.muli %scan3A_298, %mul3A_371 : i32
        %get3A_373 = arith.constant 7 : i32
        %get3A_374 = arith.index_cast %get3A_373 : i32 to index
        %get3A_375 = arith.index_cast %mul3A_372 : i32 to index
        %get3A_376 = tpu.vector_load %arg5[%get3A_374, %get3A_375] {strides = array<i32>} : memref<16x640xf32, #tpu.memory_space<vmem>>, vector<16xf32>,
        %add3A_377 = arith.constant 7 : i32
        %add3A_378 = arith.addi %mul3A_300, %add3A_377 : i32
        %add3A_379 = vector.broadcast %add3A_378 : i32 to vector<16xi32>
        %add3A_380 = arith.addi %add3A_379, %mul3A_4 : vector<16xi32>
        tpu.vector_store_idx %arg7[%add3A_380], %get3A_376 : memref<10240xf32, #tpu.memory_space<vmem>>[vector<16xi32>], vector<16xf32>,
        %mul3A_381 = arith.constant 16 : i32
        %mul3A_382 = arith.muli %scan3A_298, %mul3A_381 : i32
        %get3A_383 = arith.constant 8 : i32
        %get3A_384 = arith.index_cast %get3A_383 : i32 to index
        %get3A_385 = arith.index_cast %mul3A_382 : i32 to index
        %get3A_386 = tpu.vector_load %arg5[%get3A_384, %get3A_385] {strides = array<i32>} : memref<16x640xf32, #tpu.memory_space<vmem>>, vector<16xf32>,
        %add3A_387 = arith.constant 8 : i32
        %add3A_388 = arith.addi %mul3A_300, %add3A_387 : i32
        %add3A_389 = vector.broadcast %add3A_388 : i32 to vector<16xi32>
        %add3A_390 = arith.addi %add3A_389, %mul3A_4 : vector<16xi32>
        tpu.vector_store_idx %arg7[%add3A_390], %get3A_386 : memref<10240xf32, #tpu.memory_space<vmem>>[vector<16xi32>], vector<16xf32>,
        %mul3A_391 = arith.constant 16 : i32
        %mul3A_392 = arith.muli %scan3A_298, %mul3A_391 : i32
        %get3A_393 = arith.constant 9 : i32
        %get3A_394 = arith.index_cast %get3A_393 : i32 to index
        %get3A_395 = arith.index_cast %mul3A_392 : i32 to index
        %get3A_396 = tpu.vector_load %arg5[%get3A_394, %get3A_395] {strides = array<i32>} : memref<16x640xf32, #tpu.memory_space<vmem>>, vector<16xf32>,
        %add3A_397 = arith.constant 9 : i32
        %add3A_398 = arith.addi %mul3A_300, %add3A_397 : i32
        %add3A_399 = vector.broadcast %add3A_398 : i32 to vector<16xi32>
        %add3A_400 = arith.addi %add3A_399, %mul3A_4 : vector<16xi32>
        tpu.vector_store_idx %arg7[%add3A_400], %get3A_396 : memref<10240xf32, #tpu.memory_space<vmem>>[vector<16xi32>], vector<16xf32>,
        %mul3A_401 = arith.constant 16 : i32
        %mul3A_402 = arith.muli %scan3A_298, %mul3A_401 : i32
        %get3A_403 = arith.constant 10 : i32
        %get3A_404 = arith.index_cast %get3A_403 : i32 to index
        %get3A_405 = arith.index_cast %mul3A_402 : i32 to index
        %get3A_406 = tpu.vector_load %arg5[%get3A_404, %get3A_405] {strides = array<i32>} : memref<16x640xf32, #tpu.memory_space<vmem>>, vector<16xf32>,
        %add3A_407 = arith.constant 10 : i32
        %add3A_408 = arith.addi %mul3A_300, %add3A_407 : i32
        %add3A_409 = vector.broadcast %add3A_408 : i32 to vector<16xi32>
        %add3A_410 = arith.addi %add3A_409, %mul3A_4 : vector<16xi32>
        tpu.vector_store_idx %arg7[%add3A_410], %get3A_406 : memref<10240xf32, #tpu.memory_space<vmem>>[vector<16xi32>], vector<16xf32>,
        %mul3A_411 = arith.constant 16 : i32
        %mul3A_412 = arith.muli %scan3A_298, %mul3A_411 : i32
        %get3A_413 = arith.constant 11 : i32
        %get3A_414 = arith.index_cast %get3A_413 : i32 to index
        %get3A_415 = arith.index_cast %mul3A_412 : i32 to index
        %get3A_416 = tpu.vector_load %arg5[%get3A_414, %get3A_415] {strides = array<i32>} : memref<16x640xf32, #tpu.memory_space<vmem>>, vector<16xf32>,
        %add3A_417 = arith.constant 11 : i32
        %add3A_418 = arith.addi %mul3A_300, %add3A_417 : i32
        %add3A_419 = vector.broadcast %add3A_418 : i32 to vector<16xi32>
        %add3A_420 = arith.addi %add3A_419, %mul3A_4 : vector<16xi32>
        tpu.vector_store_idx %arg7[%add3A_420], %get3A_416 : memref<10240xf32, #tpu.memory_space<vmem>>[vector<16xi32>], vector<16xf32>,
        %mul3A_421 = arith.constant 16 : i32
        %mul3A_422 = arith.muli %scan3A_298, %mul3A_421 : i32
        %get3A_423 = arith.constant 12 : i32
        %get3A_424 = arith.index_cast %get3A_423 : i32 to index
        %get3A_425 = arith.index_cast %mul3A_422 : i32 to index
        %get3A_426 = tpu.vector_load %arg5[%get3A_424, %get3A_425] {strides = array<i32>} : memref<16x640xf32, #tpu.memory_space<vmem>>, vector<16xf32>,
        %add3A_427 = arith.constant 12 : i32
        %add3A_428 = arith.addi %mul3A_300, %add3A_427 : i32
        %add3A_429 = vector.broadcast %add3A_428 : i32 to vector<16xi32>
        %add3A_430 = arith.addi %add3A_429, %mul3A_4 : vector<16xi32>
        tpu.vector_store_idx %arg7[%add3A_430], %get3A_426 : memref<10240xf32, #tpu.memory_space<vmem>>[vector<16xi32>], vector<16xf32>,
        %mul3A_431 = arith.constant 16 : i32
        %mul3A_432 = arith.muli %scan3A_298, %mul3A_431 : i32
        %get3A_433 = arith.constant 13 : i32
        %get3A_434 = arith.index_cast %get3A_433 : i32 to index
        %get3A_435 = arith.index_cast %mul3A_432 : i32 to index
        %get3A_436 = tpu.vector_load %arg5[%get3A_434, %get3A_435] {strides = array<i32>} : memref<16x640xf32, #tpu.memory_space<vmem>>, vector<16xf32>,
        %add3A_437 = arith.constant 13 : i32
        %add3A_438 = arith.addi %mul3A_300, %add3A_437 : i32
        %add3A_439 = vector.broadcast %add3A_438 : i32 to vector<16xi32>
        %add3A_440 = arith.addi %add3A_439, %mul3A_4 : vector<16xi32>
        tpu.vector_store_idx %arg7[%add3A_440], %get3A_436 : memref<10240xf32, #tpu.memory_space<vmem>>[vector<16xi32>], vector<16xf32>,
        %mul3A_441 = arith.constant 16 : i32
        %mul3A_442 = arith.muli %scan3A_298, %mul3A_441 : i32
        %get3A_443 = arith.constant 14 : i32
        %get3A_444 = arith.index_cast %get3A_443 : i32 to index
        %get3A_445 = arith.index_cast %mul3A_442 : i32 to index
        %get3A_446 = tpu.vector_load %arg5[%get3A_444, %get3A_445] {strides = array<i32>} : memref<16x640xf32, #tpu.memory_space<vmem>>, vector<16xf32>,
        %add3A_447 = arith.constant 14 : i32
        %add3A_448 = arith.addi %mul3A_300, %add3A_447 : i32
        %add3A_449 = vector.broadcast %add3A_448 : i32 to vector<16xi32>
        %add3A_450 = arith.addi %add3A_449, %mul3A_4 : vector<16xi32>
        tpu.vector_store_idx %arg7[%add3A_450], %get3A_446 : memref<10240xf32, #tpu.memory_space<vmem>>[vector<16xi32>], vector<16xf32>,
        %mul3A_451 = arith.constant 16 : i32
        %mul3A_452 = arith.muli %scan3A_298, %mul3A_451 : i32
        %get3A_453 = arith.constant 15 : i32
        %get3A_454 = arith.index_cast %get3A_453 : i32 to index
        %get3A_455 = arith.index_cast %mul3A_452 : i32 to index
        %get3A_456 = tpu.vector_load %arg5[%get3A_454, %get3A_455] {strides = array<i32>} : memref<16x640xf32, #tpu.memory_space<vmem>>, vector<16xf32>,
        %add3A_457 = arith.constant 15 : i32
        %add3A_458 = arith.addi %mul3A_300, %add3A_457 : i32
        %add3A_459 = vector.broadcast %add3A_458 : i32 to vector<16xi32>
        %add3A_460 = arith.addi %add3A_459, %mul3A_4 : vector<16xi32>
        tpu.vector_store_idx %arg7[%add3A_460], %get3A_456 : memref<10240xf32, #tpu.memory_space<vmem>>[vector<16xi32>], vector<16xf32>,
      }
      %scan3A_87 = arith.constant 40 : i32
      %mul3A_88 = arith.constant 5 : i32
      %mul3A_89 = arith.muli %mul3A_57, %mul3A_88 : i32
      %add3A_90 = arith.addi %mul3A_6, %mul3A_89 : i32
      %mul3A_91 = arith.constant 128 : i32
      %mul3A_92 = arith.muli %add3A_90, %mul3A_91 : i32
      %min3A_93 = arith.constant 2599296 : i32
      %min3A_94 = arith.minsi %mul3A_92, %min3A_93 : i32
      %mul3A_95 = arith.constant 16 : i32
      %mul3A_96 = arith.muli %min3A_94, %mul3A_95 : i32
      %dma_start3A_97 = tpu.memref_slice %arg4[%mul3A_96] : memref<41600000xf32, #tpu.memory_space<hbm>> -> memref<10240xf32, #tpu.memory_space<hbm>>
      %dma_start3A_98 = tpu.memref_slice %arg4[%mul3A_96] : memref<41600000xf32, #tpu.memory_space<hbm>> -> memref<10240xf32, #tpu.memory_space<hbm>>
      tpu.enqueue_dma source(%arg7 : memref<10240xf32, #tpu.memory_space<vmem>>) target(%dma_start3A_98 : memref<10240xf32, #tpu.memory_space<hbm>>) target_semaphore(%arg12 : memref<!tpu.dma_semaphore, #tpu.memory_space<semaphore_mem>>)
      %dma_wait3A_99 = arith.constant 0 : i32
      %dma_wait3A_100 = arith.constant 0 : i32
      %dma_wait3A_101 = tpu.memref_slice %arg2[%dma_wait3A_99, %dma_wait3A_100] : memref<16x2600000xf32, #tpu.memory_space<hbm>> -> memref<16x640xf32, #tpu.memory_space<hbm>>
      %dma_wait3A_102 = arith.constant 0 : i32
      %dma_wait3A_103 = arith.constant 0 : i32
      %dma_wait3A_104 = tpu.memref_slice %arg2[%dma_wait3A_102, %dma_wait3A_103] : memref<16x2600000xf32, #tpu.memory_space<hbm>> -> memref<16x640xf32, #tpu.memory_space<hbm>>
      tpu.wait_dma2 semaphore(%arg11 : memref<!tpu.dma_semaphore, #tpu.memory_space<semaphore_mem>>) src(%dma_wait3A_104 : memref<16x640xf32, #tpu.memory_space<hbm>>) dst(%arg6 : memref<16x640xf32, #tpu.memory_space<vmem>>)
      %add3A_105 = arith.constant 2 : i32
      %add3A_106 = arith.addi %mul3A_57, %add3A_105 : i32
      %lt3A = arith.constant 127 : i32
      %lt3A_107 = arith.cmpi slt, %add3A_106, %lt3A : i32
      %convert_element_type3A_108 = arith.extui %lt3A_107 : i1 to i32
      %cond3A_109 = arith.constant 0 : i32
      %cond3A_110 = arith.cmpi ne, %convert_element_type3A_108, %cond3A_109 : i32
      scf.if %cond3A_110 {
        %add3A_135 = arith.constant 2 : i32
        %add3A_136 = arith.addi %mul3A_57, %add3A_135 : i32
        %mul3A_137 = arith.constant 5 : i32
        %mul3A_138 = arith.muli %add3A_136, %mul3A_137 : i32
        %add3A_139 = arith.addi %mul3A_6, %mul3A_138 : i32
        %mul3A_140 = arith.constant 128 : i32
        %mul3A_141 = arith.muli %add3A_139, %mul3A_140 : i32
        %min3A_142 = arith.constant 2599296 : i32
        %min3A_143 = arith.minsi %mul3A_141, %min3A_142 : i32
        %multiple_of3A_144 = tpu.assume_multiple %min3A_143, 128 : i32
        %dma_start3A_145 = arith.constant 0 : i32
        %dma_start3A_146 = tpu.memref_slice %arg2[%dma_start3A_145, %multiple_of3A_144] : memref<16x2600000xf32, #tpu.memory_space<hbm>> -> memref<16x640xf32, #tpu.memory_space<hbm>>
        %dma_start3A_147 = arith.constant 0 : i32
        %dma_start3A_148 = tpu.memref_slice %arg2[%dma_start3A_147, %multiple_of3A_144] : memref<16x2600000xf32, #tpu.memory_space<hbm>> -> memref<16x640xf32, #tpu.memory_space<hbm>>
        tpu.enqueue_dma source(%dma_start3A_148 : memref<16x640xf32, #tpu.memory_space<hbm>>) target(%arg5 : memref<16x640xf32, #tpu.memory_space<vmem>>) target_semaphore(%arg10 : memref<!tpu.dma_semaphore, #tpu.memory_space<semaphore_mem>>)
      } else {
      }
      %gt3A_111 = arith.constant 0 : i32
      %gt3A_112 = arith.cmpi sgt, %scan3A_55, %gt3A_111 : i32
      %convert_element_type3A_113 = arith.extui %gt3A_112 : i1 to i32
      %cond3A_114 = arith.constant 0 : i32
      %cond3A_115 = arith.cmpi ne, %convert_element_type3A_113, %cond3A_114 : i32
      scf.if %cond3A_115 {
        %dma_wait3A_135 = arith.constant 0 : i32
        %dma_wait3A_136 = tpu.memref_slice %arg4[%dma_wait3A_135] : memref<41600000xf32, #tpu.memory_space<hbm>> -> memref<10240xf32, #tpu.memory_space<hbm>>
        %dma_wait3A_137 = arith.constant 0 : i32
        %dma_wait3A_138 = tpu.memref_slice %arg4[%dma_wait3A_137] : memref<41600000xf32, #tpu.memory_space<hbm>> -> memref<10240xf32, #tpu.memory_space<hbm>>
        tpu.wait_dma2 semaphore(%arg13 : memref<!tpu.dma_semaphore, #tpu.memory_space<semaphore_mem>>) src(%arg8 : memref<10240xf32, #tpu.memory_space<vmem>>) dst(%dma_wait3A_138 : memref<10240xf32, #tpu.memory_space<hbm>>)
      } else {
      }
      %scan3A_116 = arith.constant 0 : i32
      %scan3A_117 = arith.constant 0 : i32
      %scan3A_118 = arith.constant 40 : i32
      %scan3A_119 = arith.addi %scan3A_117, %scan3A_118 : i32
      %scan3A_120 = arith.constant 2 : i32
      scf.for %scan3A_135 = %scan3A_117 to %scan3A_119 step %scan3A_120  : i32 {
        %mul3A_136 = arith.constant 256 : i32
        %mul3A_137 = arith.muli %scan3A_135, %mul3A_136 : i32
        %mul3A_138 = arith.constant 16 : i32
        %mul3A_139 = arith.muli %scan3A_135, %mul3A_138 : i32
        %get3A = arith.constant 0 : i32
        %get3A_140 = arith.index_cast %get3A : i32 to index
        %get3A_141 = arith.index_cast %mul3A_139 : i32 to index
        %get3A_142 = tpu.vector_load %arg6[%get3A_140, %get3A_141] {strides = array<i32>} : memref<16x640xf32, #tpu.memory_space<vmem>>, vector<16xf32>,
        %add3A_143 = arith.constant 0 : i32
        %add3A_144 = arith.addi %mul3A_137, %add3A_143 : i32
        %add3A_145 = vector.broadcast %add3A_144 : i32 to vector<16xi32>
        %add3A_146 = arith.addi %add3A_145, %mul3A_4 : vector<16xi32>
        tpu.vector_store_idx %arg8[%add3A_146], %get3A_142 : memref<10240xf32, #tpu.memory_space<vmem>>[vector<16xi32>], vector<16xf32>,
        %mul3A_147 = arith.constant 16 : i32
        %mul3A_148 = arith.muli %scan3A_135, %mul3A_147 : i32
        %get3A_149 = arith.constant 1 : i32
        %get3A_150 = arith.index_cast %get3A_149 : i32 to index
        %get3A_151 = arith.index_cast %mul3A_148 : i32 to index
        %get3A_152 = tpu.vector_load %arg6[%get3A_150, %get3A_151] {strides = array<i32>} : memref<16x640xf32, #tpu.memory_space<vmem>>, vector<16xf32>,
        %add3A_153 = arith.constant 1 : i32
        %add3A_154 = arith.addi %mul3A_137, %add3A_153 : i32
        %add3A_155 = vector.broadcast %add3A_154 : i32 to vector<16xi32>
        %add3A_156 = arith.addi %add3A_155, %mul3A_4 : vector<16xi32>
        tpu.vector_store_idx %arg8[%add3A_156], %get3A_152 : memref<10240xf32, #tpu.memory_space<vmem>>[vector<16xi32>], vector<16xf32>,
        %mul3A_157 = arith.constant 16 : i32
        %mul3A_158 = arith.muli %scan3A_135, %mul3A_157 : i32
        %get3A_159 = arith.constant 2 : i32
        %get3A_160 = arith.index_cast %get3A_159 : i32 to index
        %get3A_161 = arith.index_cast %mul3A_158 : i32 to index
        %get3A_162 = tpu.vector_load %arg6[%get3A_160, %get3A_161] {strides = array<i32>} : memref<16x640xf32, #tpu.memory_space<vmem>>, vector<16xf32>,
        %add3A_163 = arith.constant 2 : i32
        %add3A_164 = arith.addi %mul3A_137, %add3A_163 : i32
        %add3A_165 = vector.broadcast %add3A_164 : i32 to vector<16xi32>
        %add3A_166 = arith.addi %add3A_165, %mul3A_4 : vector<16xi32>
        tpu.vector_store_idx %arg8[%add3A_166], %get3A_162 : memref<10240xf32, #tpu.memory_space<vmem>>[vector<16xi32>], vector<16xf32>,
        %mul3A_167 = arith.constant 16 : i32
        %mul3A_168 = arith.muli %scan3A_135, %mul3A_167 : i32
        %get3A_169 = arith.constant 3 : i32
        %get3A_170 = arith.index_cast %get3A_169 : i32 to index
        %get3A_171 = arith.index_cast %mul3A_168 : i32 to index
        %get3A_172 = tpu.vector_load %arg6[%get3A_170, %get3A_171] {strides = array<i32>} : memref<16x640xf32, #tpu.memory_space<vmem>>, vector<16xf32>,
        %add3A_173 = arith.constant 3 : i32
        %add3A_174 = arith.addi %mul3A_137, %add3A_173 : i32
        %add3A_175 = vector.broadcast %add3A_174 : i32 to vector<16xi32>
        %add3A_176 = arith.addi %add3A_175, %mul3A_4 : vector<16xi32>
        tpu.vector_store_idx %arg8[%add3A_176], %get3A_172 : memref<10240xf32, #tpu.memory_space<vmem>>[vector<16xi32>], vector<16xf32>,
        %mul3A_177 = arith.constant 16 : i32
        %mul3A_178 = arith.muli %scan3A_135, %mul3A_177 : i32
        %get3A_179 = arith.constant 4 : i32
        %get3A_180 = arith.index_cast %get3A_179 : i32 to index
        %get3A_181 = arith.index_cast %mul3A_178 : i32 to index
        %get3A_182 = tpu.vector_load %arg6[%get3A_180, %get3A_181] {strides = array<i32>} : memref<16x640xf32, #tpu.memory_space<vmem>>, vector<16xf32>,
        %add3A_183 = arith.constant 4 : i32
        %add3A_184 = arith.addi %mul3A_137, %add3A_183 : i32
        %add3A_185 = vector.broadcast %add3A_184 : i32 to vector<16xi32>
        %add3A_186 = arith.addi %add3A_185, %mul3A_4 : vector<16xi32>
        tpu.vector_store_idx %arg8[%add3A_186], %get3A_182 : memref<10240xf32, #tpu.memory_space<vmem>>[vector<16xi32>], vector<16xf32>,
        %mul3A_187 = arith.constant 16 : i32
        %mul3A_188 = arith.muli %scan3A_135, %mul3A_187 : i32
        %get3A_189 = arith.constant 5 : i32
        %get3A_190 = arith.index_cast %get3A_189 : i32 to index
        %get3A_191 = arith.index_cast %mul3A_188 : i32 to index
        %get3A_192 = tpu.vector_load %arg6[%get3A_190, %get3A_191] {strides = array<i32>} : memref<16x640xf32, #tpu.memory_space<vmem>>, vector<16xf32>,
        %add3A_193 = arith.constant 5 : i32
        %add3A_194 = arith.addi %mul3A_137, %add3A_193 : i32
        %add3A_195 = vector.broadcast %add3A_194 : i32 to vector<16xi32>
        %add3A_196 = arith.addi %add3A_195, %mul3A_4 : vector<16xi32>
        tpu.vector_store_idx %arg8[%add3A_196], %get3A_192 : memref<10240xf32, #tpu.memory_space<vmem>>[vector<16xi32>], vector<16xf32>,
        %mul3A_197 = arith.constant 16 : i32
        %mul3A_198 = arith.muli %scan3A_135, %mul3A_197 : i32
        %get3A_199 = arith.constant 6 : i32
        %get3A_200 = arith.index_cast %get3A_199 : i32 to index
        %get3A_201 = arith.index_cast %mul3A_198 : i32 to index
        %get3A_202 = tpu.vector_load %arg6[%get3A_200, %get3A_201] {strides = array<i32>} : memref<16x640xf32, #tpu.memory_space<vmem>>, vector<16xf32>,
        %add3A_203 = arith.constant 6 : i32
        %add3A_204 = arith.addi %mul3A_137, %add3A_203 : i32
        %add3A_205 = vector.broadcast %add3A_204 : i32 to vector<16xi32>
        %add3A_206 = arith.addi %add3A_205, %mul3A_4 : vector<16xi32>
        tpu.vector_store_idx %arg8[%add3A_206], %get3A_202 : memref<10240xf32, #tpu.memory_space<vmem>>[vector<16xi32>], vector<16xf32>,
        %mul3A_207 = arith.constant 16 : i32
        %mul3A_208 = arith.muli %scan3A_135, %mul3A_207 : i32
        %get3A_209 = arith.constant 7 : i32
        %get3A_210 = arith.index_cast %get3A_209 : i32 to index
        %get3A_211 = arith.index_cast %mul3A_208 : i32 to index
        %get3A_212 = tpu.vector_load %arg6[%get3A_210, %get3A_211] {strides = array<i32>} : memref<16x640xf32, #tpu.memory_space<vmem>>, vector<16xf32>,
        %add3A_213 = arith.constant 7 : i32
        %add3A_214 = arith.addi %mul3A_137, %add3A_213 : i32
        %add3A_215 = vector.broadcast %add3A_214 : i32 to vector<16xi32>
        %add3A_216 = arith.addi %add3A_215, %mul3A_4 : vector<16xi32>
        tpu.vector_store_idx %arg8[%add3A_216], %get3A_212 : memref<10240xf32, #tpu.memory_space<vmem>>[vector<16xi32>], vector<16xf32>,
        %mul3A_217 = arith.constant 16 : i32
        %mul3A_218 = arith.muli %scan3A_135, %mul3A_217 : i32
        %get3A_219 = arith.constant 8 : i32
        %get3A_220 = arith.index_cast %get3A_219 : i32 to index
        %get3A_221 = arith.index_cast %mul3A_218 : i32 to index
        %get3A_222 = tpu.vector_load %arg6[%get3A_220, %get3A_221] {strides = array<i32>} : memref<16x640xf32, #tpu.memory_space<vmem>>, vector<16xf32>,
        %add3A_223 = arith.constant 8 : i32
        %add3A_224 = arith.addi %mul3A_137, %add3A_223 : i32
        %add3A_225 = vector.broadcast %add3A_224 : i32 to vector<16xi32>
        %add3A_226 = arith.addi %add3A_225, %mul3A_4 : vector<16xi32>
        tpu.vector_store_idx %arg8[%add3A_226], %get3A_222 : memref<10240xf32, #tpu.memory_space<vmem>>[vector<16xi32>], vector<16xf32>,
        %mul3A_227 = arith.constant 16 : i32
        %mul3A_228 = arith.muli %scan3A_135, %mul3A_227 : i32
        %get3A_229 = arith.constant 9 : i32
        %get3A_230 = arith.index_cast %get3A_229 : i32 to index
        %get3A_231 = arith.index_cast %mul3A_228 : i32 to index
        %get3A_232 = tpu.vector_load %arg6[%get3A_230, %get3A_231] {strides = array<i32>} : memref<16x640xf32, #tpu.memory_space<vmem>>, vector<16xf32>,
        %add3A_233 = arith.constant 9 : i32
        %add3A_234 = arith.addi %mul3A_137, %add3A_233 : i32
        %add3A_235 = vector.broadcast %add3A_234 : i32 to vector<16xi32>
        %add3A_236 = arith.addi %add3A_235, %mul3A_4 : vector<16xi32>
        tpu.vector_store_idx %arg8[%add3A_236], %get3A_232 : memref<10240xf32, #tpu.memory_space<vmem>>[vector<16xi32>], vector<16xf32>,
        %mul3A_237 = arith.constant 16 : i32
        %mul3A_238 = arith.muli %scan3A_135, %mul3A_237 : i32
        %get3A_239 = arith.constant 10 : i32
        %get3A_240 = arith.index_cast %get3A_239 : i32 to index
        %get3A_241 = arith.index_cast %mul3A_238 : i32 to index
        %get3A_242 = tpu.vector_load %arg6[%get3A_240, %get3A_241] {strides = array<i32>} : memref<16x640xf32, #tpu.memory_space<vmem>>, vector<16xf32>,
        %add3A_243 = arith.constant 10 : i32
        %add3A_244 = arith.addi %mul3A_137, %add3A_243 : i32
        %add3A_245 = vector.broadcast %add3A_244 : i32 to vector<16xi32>
        %add3A_246 = arith.addi %add3A_245, %mul3A_4 : vector<16xi32>
        tpu.vector_store_idx %arg8[%add3A_246], %get3A_242 : memref<10240xf32, #tpu.memory_space<vmem>>[vector<16xi32>], vector<16xf32>,
        %mul3A_247 = arith.constant 16 : i32
        %mul3A_248 = arith.muli %scan3A_135, %mul3A_247 : i32
        %get3A_249 = arith.constant 11 : i32
        %get3A_250 = arith.index_cast %get3A_249 : i32 to index
        %get3A_251 = arith.index_cast %mul3A_248 : i32 to index
        %get3A_252 = tpu.vector_load %arg6[%get3A_250, %get3A_251] {strides = array<i32>} : memref<16x640xf32, #tpu.memory_space<vmem>>, vector<16xf32>,
        %add3A_253 = arith.constant 11 : i32
        %add3A_254 = arith.addi %mul3A_137, %add3A_253 : i32
        %add3A_255 = vector.broadcast %add3A_254 : i32 to vector<16xi32>
        %add3A_256 = arith.addi %add3A_255, %mul3A_4 : vector<16xi32>
        tpu.vector_store_idx %arg8[%add3A_256], %get3A_252 : memref<10240xf32, #tpu.memory_space<vmem>>[vector<16xi32>], vector<16xf32>,
        %mul3A_257 = arith.constant 16 : i32
        %mul3A_258 = arith.muli %scan3A_135, %mul3A_257 : i32
        %get3A_259 = arith.constant 12 : i32
        %get3A_260 = arith.index_cast %get3A_259 : i32 to index
        %get3A_261 = arith.index_cast %mul3A_258 : i32 to index
        %get3A_262 = tpu.vector_load %arg6[%get3A_260, %get3A_261] {strides = array<i32>} : memref<16x640xf32, #tpu.memory_space<vmem>>, vector<16xf32>,
        %add3A_263 = arith.constant 12 : i32
        %add3A_264 = arith.addi %mul3A_137, %add3A_263 : i32
        %add3A_265 = vector.broadcast %add3A_264 : i32 to vector<16xi32>
        %add3A_266 = arith.addi %add3A_265, %mul3A_4 : vector<16xi32>
        tpu.vector_store_idx %arg8[%add3A_266], %get3A_262 : memref<10240xf32, #tpu.memory_space<vmem>>[vector<16xi32>], vector<16xf32>,
        %mul3A_267 = arith.constant 16 : i32
        %mul3A_268 = arith.muli %scan3A_135, %mul3A_267 : i32
        %get3A_269 = arith.constant 13 : i32
        %get3A_270 = arith.index_cast %get3A_269 : i32 to index
        %get3A_271 = arith.index_cast %mul3A_268 : i32 to index
        %get3A_272 = tpu.vector_load %arg6[%get3A_270, %get3A_271] {strides = array<i32>} : memref<16x640xf32, #tpu.memory_space<vmem>>, vector<16xf32>,
        %add3A_273 = arith.constant 13 : i32
        %add3A_274 = arith.addi %mul3A_137, %add3A_273 : i32
        %add3A_275 = vector.broadcast %add3A_274 : i32 to vector<16xi32>
        %add3A_276 = arith.addi %add3A_275, %mul3A_4 : vector<16xi32>
        tpu.vector_store_idx %arg8[%add3A_276], %get3A_272 : memref<10240xf32, #tpu.memory_space<vmem>>[vector<16xi32>], vector<16xf32>,
        %mul3A_277 = arith.constant 16 : i32
        %mul3A_278 = arith.muli %scan3A_135, %mul3A_277 : i32
        %get3A_279 = arith.constant 14 : i32
        %get3A_280 = arith.index_cast %get3A_279 : i32 to index
        %get3A_281 = arith.index_cast %mul3A_278 : i32 to index
        %get3A_282 = tpu.vector_load %arg6[%get3A_280, %get3A_281] {strides = array<i32>} : memref<16x640xf32, #tpu.memory_space<vmem>>, vector<16xf32>,
        %add3A_283 = arith.constant 14 : i32
        %add3A_284 = arith.addi %mul3A_137, %add3A_283 : i32
        %add3A_285 = vector.broadcast %add3A_284 : i32 to vector<16xi32>
        %add3A_286 = arith.addi %add3A_285, %mul3A_4 : vector<16xi32>
        tpu.vector_store_idx %arg8[%add3A_286], %get3A_282 : memref<10240xf32, #tpu.memory_space<vmem>>[vector<16xi32>], vector<16xf32>,
        %mul3A_287 = arith.constant 16 : i32
        %mul3A_288 = arith.muli %scan3A_135, %mul3A_287 : i32
        %get3A_289 = arith.constant 15 : i32
        %get3A_290 = arith.index_cast %get3A_289 : i32 to index
        %get3A_291 = arith.index_cast %mul3A_288 : i32 to index
        %get3A_292 = tpu.vector_load %arg6[%get3A_290, %get3A_291] {strides = array<i32>} : memref<16x640xf32, #tpu.memory_space<vmem>>, vector<16xf32>,
        %add3A_293 = arith.constant 15 : i32
        %add3A_294 = arith.addi %mul3A_137, %add3A_293 : i32
        %add3A_295 = vector.broadcast %add3A_294 : i32 to vector<16xi32>
        %add3A_296 = arith.addi %add3A_295, %mul3A_4 : vector<16xi32>
        tpu.vector_store_idx %arg8[%add3A_296], %get3A_292 : memref<10240xf32, #tpu.memory_space<vmem>>[vector<16xi32>], vector<16xf32>,
        %scan3A_297 = arith.constant 1 : i32
        %scan3A_298 = arith.addi %scan3A_135, %scan3A_297 : i32
        %mul3A_299 = arith.constant 256 : i32
        %mul3A_300 = arith.muli %scan3A_298, %mul3A_299 : i32
        %mul3A_301 = arith.constant 16 : i32
        %mul3A_302 = arith.muli %scan3A_298, %mul3A_301 : i32
        %get3A_303 = arith.constant 0 : i32
        %get3A_304 = arith.index_cast %get3A_303 : i32 to index
        %get3A_305 = arith.index_cast %mul3A_302 : i32 to index
        %get3A_306 = tpu.vector_load %arg6[%get3A_304, %get3A_305] {strides = array<i32>} : memref<16x640xf32, #tpu.memory_space<vmem>>, vector<16xf32>,
        %add3A_307 = arith.constant 0 : i32
        %add3A_308 = arith.addi %mul3A_300, %add3A_307 : i32
        %add3A_309 = vector.broadcast %add3A_308 : i32 to vector<16xi32>
        %add3A_310 = arith.addi %add3A_309, %mul3A_4 : vector<16xi32>
        tpu.vector_store_idx %arg8[%add3A_310], %get3A_306 : memref<10240xf32, #tpu.memory_space<vmem>>[vector<16xi32>], vector<16xf32>,
        %mul3A_311 = arith.constant 16 : i32
        %mul3A_312 = arith.muli %scan3A_298, %mul3A_311 : i32
        %get3A_313 = arith.constant 1 : i32
        %get3A_314 = arith.index_cast %get3A_313 : i32 to index
        %get3A_315 = arith.index_cast %mul3A_312 : i32 to index
        %get3A_316 = tpu.vector_load %arg6[%get3A_314, %get3A_315] {strides = array<i32>} : memref<16x640xf32, #tpu.memory_space<vmem>>, vector<16xf32>,
        %add3A_317 = arith.constant 1 : i32
        %add3A_318 = arith.addi %mul3A_300, %add3A_317 : i32
        %add3A_319 = vector.broadcast %add3A_318 : i32 to vector<16xi32>
        %add3A_320 = arith.addi %add3A_319, %mul3A_4 : vector<16xi32>
        tpu.vector_store_idx %arg8[%add3A_320], %get3A_316 : memref<10240xf32, #tpu.memory_space<vmem>>[vector<16xi32>], vector<16xf32>,
        %mul3A_321 = arith.constant 16 : i32
        %mul3A_322 = arith.muli %scan3A_298, %mul3A_321 : i32
        %get3A_323 = arith.constant 2 : i32
        %get3A_324 = arith.index_cast %get3A_323 : i32 to index
        %get3A_325 = arith.index_cast %mul3A_322 : i32 to index
        %get3A_326 = tpu.vector_load %arg6[%get3A_324, %get3A_325] {strides = array<i32>} : memref<16x640xf32, #tpu.memory_space<vmem>>, vector<16xf32>,
        %add3A_327 = arith.constant 2 : i32
        %add3A_328 = arith.addi %mul3A_300, %add3A_327 : i32
        %add3A_329 = vector.broadcast %add3A_328 : i32 to vector<16xi32>
        %add3A_330 = arith.addi %add3A_329, %mul3A_4 : vector<16xi32>
        tpu.vector_store_idx %arg8[%add3A_330], %get3A_326 : memref<10240xf32, #tpu.memory_space<vmem>>[vector<16xi32>], vector<16xf32>,
        %mul3A_331 = arith.constant 16 : i32
        %mul3A_332 = arith.muli %scan3A_298, %mul3A_331 : i32
        %get3A_333 = arith.constant 3 : i32
        %get3A_334 = arith.index_cast %get3A_333 : i32 to index
        %get3A_335 = arith.index_cast %mul3A_332 : i32 to index
        %get3A_336 = tpu.vector_load %arg6[%get3A_334, %get3A_335] {strides = array<i32>} : memref<16x640xf32, #tpu.memory_space<vmem>>, vector<16xf32>,
        %add3A_337 = arith.constant 3 : i32
        %add3A_338 = arith.addi %mul3A_300, %add3A_337 : i32
        %add3A_339 = vector.broadcast %add3A_338 : i32 to vector<16xi32>
        %add3A_340 = arith.addi %add3A_339, %mul3A_4 : vector<16xi32>
        tpu.vector_store_idx %arg8[%add3A_340], %get3A_336 : memref<10240xf32, #tpu.memory_space<vmem>>[vector<16xi32>], vector<16xf32>,
        %mul3A_341 = arith.constant 16 : i32
        %mul3A_342 = arith.muli %scan3A_298, %mul3A_341 : i32
        %get3A_343 = arith.constant 4 : i32
        %get3A_344 = arith.index_cast %get3A_343 : i32 to index
        %get3A_345 = arith.index_cast %mul3A_342 : i32 to index
        %get3A_346 = tpu.vector_load %arg6[%get3A_344, %get3A_345] {strides = array<i32>} : memref<16x640xf32, #tpu.memory_space<vmem>>, vector<16xf32>,
        %add3A_347 = arith.constant 4 : i32
        %add3A_348 = arith.addi %mul3A_300, %add3A_347 : i32
        %add3A_349 = vector.broadcast %add3A_348 : i32 to vector<16xi32>
        %add3A_350 = arith.addi %add3A_349, %mul3A_4 : vector<16xi32>
        tpu.vector_store_idx %arg8[%add3A_350], %get3A_346 : memref<10240xf32, #tpu.memory_space<vmem>>[vector<16xi32>], vector<16xf32>,
        %mul3A_351 = arith.constant 16 : i32
        %mul3A_352 = arith.muli %scan3A_298, %mul3A_351 : i32
        %get3A_353 = arith.constant 5 : i32
        %get3A_354 = arith.index_cast %get3A_353 : i32 to index
        %get3A_355 = arith.index_cast %mul3A_352 : i32 to index
        %get3A_356 = tpu.vector_load %arg6[%get3A_354, %get3A_355] {strides = array<i32>} : memref<16x640xf32, #tpu.memory_space<vmem>>, vector<16xf32>,
        %add3A_357 = arith.constant 5 : i32
        %add3A_358 = arith.addi %mul3A_300, %add3A_357 : i32
        %add3A_359 = vector.broadcast %add3A_358 : i32 to vector<16xi32>
        %add3A_360 = arith.addi %add3A_359, %mul3A_4 : vector<16xi32>
        tpu.vector_store_idx %arg8[%add3A_360], %get3A_356 : memref<10240xf32, #tpu.memory_space<vmem>>[vector<16xi32>], vector<16xf32>,
        %mul3A_361 = arith.constant 16 : i32
        %mul3A_362 = arith.muli %scan3A_298, %mul3A_361 : i32
        %get3A_363 = arith.constant 6 : i32
        %get3A_364 = arith.index_cast %get3A_363 : i32 to index
        %get3A_365 = arith.index_cast %mul3A_362 : i32 to index
        %get3A_366 = tpu.vector_load %arg6[%get3A_364, %get3A_365] {strides = array<i32>} : memref<16x640xf32, #tpu.memory_space<vmem>>, vector<16xf32>,
        %add3A_367 = arith.constant 6 : i32
        %add3A_368 = arith.addi %mul3A_300, %add3A_367 : i32
        %add3A_369 = vector.broadcast %add3A_368 : i32 to vector<16xi32>
        %add3A_370 = arith.addi %add3A_369, %mul3A_4 : vector<16xi32>
        tpu.vector_store_idx %arg8[%add3A_370], %get3A_366 : memref<10240xf32, #tpu.memory_space<vmem>>[vector<16xi32>], vector<16xf32>,
        %mul3A_371 = arith.constant 16 : i32
        %mul3A_372 = arith.muli %scan3A_298, %mul3A_371 : i32
        %get3A_373 = arith.constant 7 : i32
        %get3A_374 = arith.index_cast %get3A_373 : i32 to index
        %get3A_375 = arith.index_cast %mul3A_372 : i32 to index
        %get3A_376 = tpu.vector_load %arg6[%get3A_374, %get3A_375] {strides = array<i32>} : memref<16x640xf32, #tpu.memory_space<vmem>>, vector<16xf32>,
        %add3A_377 = arith.constant 7 : i32
        %add3A_378 = arith.addi %mul3A_300, %add3A_377 : i32
        %add3A_379 = vector.broadcast %add3A_378 : i32 to vector<16xi32>
        %add3A_380 = arith.addi %add3A_379, %mul3A_4 : vector<16xi32>
        tpu.vector_store_idx %arg8[%add3A_380], %get3A_376 : memref<10240xf32, #tpu.memory_space<vmem>>[vector<16xi32>], vector<16xf32>,
        %mul3A_381 = arith.constant 16 : i32
        %mul3A_382 = arith.muli %scan3A_298, %mul3A_381 : i32
        %get3A_383 = arith.constant 8 : i32
        %get3A_384 = arith.index_cast %get3A_383 : i32 to index
        %get3A_385 = arith.index_cast %mul3A_382 : i32 to index
        %get3A_386 = tpu.vector_load %arg6[%get3A_384, %get3A_385] {strides = array<i32>} : memref<16x640xf32, #tpu.memory_space<vmem>>, vector<16xf32>,
        %add3A_387 = arith.constant 8 : i32
        %add3A_388 = arith.addi %mul3A_300, %add3A_387 : i32
        %add3A_389 = vector.broadcast %add3A_388 : i32 to vector<16xi32>
        %add3A_390 = arith.addi %add3A_389, %mul3A_4 : vector<16xi32>
        tpu.vector_store_idx %arg8[%add3A_390], %get3A_386 : memref<10240xf32, #tpu.memory_space<vmem>>[vector<16xi32>], vector<16xf32>,
        %mul3A_391 = arith.constant 16 : i32
        %mul3A_392 = arith.muli %scan3A_298, %mul3A_391 : i32
        %get3A_393 = arith.constant 9 : i32
        %get3A_394 = arith.index_cast %get3A_393 : i32 to index
        %get3A_395 = arith.index_cast %mul3A_392 : i32 to index
        %get3A_396 = tpu.vector_load %arg6[%get3A_394, %get3A_395] {strides = array<i32>} : memref<16x640xf32, #tpu.memory_space<vmem>>, vector<16xf32>,
        %add3A_397 = arith.constant 9 : i32
        %add3A_398 = arith.addi %mul3A_300, %add3A_397 : i32
        %add3A_399 = vector.broadcast %add3A_398 : i32 to vector<16xi32>
        %add3A_400 = arith.addi %add3A_399, %mul3A_4 : vector<16xi32>
        tpu.vector_store_idx %arg8[%add3A_400], %get3A_396 : memref<10240xf32, #tpu.memory_space<vmem>>[vector<16xi32>], vector<16xf32>,
        %mul3A_401 = arith.constant 16 : i32
        %mul3A_402 = arith.muli %scan3A_298, %mul3A_401 : i32
        %get3A_403 = arith.constant 10 : i32
        %get3A_404 = arith.index_cast %get3A_403 : i32 to index
        %get3A_405 = arith.index_cast %mul3A_402 : i32 to index
        %get3A_406 = tpu.vector_load %arg6[%get3A_404, %get3A_405] {strides = array<i32>} : memref<16x640xf32, #tpu.memory_space<vmem>>, vector<16xf32>,
        %add3A_407 = arith.constant 10 : i32
        %add3A_408 = arith.addi %mul3A_300, %add3A_407 : i32
        %add3A_409 = vector.broadcast %add3A_408 : i32 to vector<16xi32>
        %add3A_410 = arith.addi %add3A_409, %mul3A_4 : vector<16xi32>
        tpu.vector_store_idx %arg8[%add3A_410], %get3A_406 : memref<10240xf32, #tpu.memory_space<vmem>>[vector<16xi32>], vector<16xf32>,
        %mul3A_411 = arith.constant 16 : i32
        %mul3A_412 = arith.muli %scan3A_298, %mul3A_411 : i32
        %get3A_413 = arith.constant 11 : i32
        %get3A_414 = arith.index_cast %get3A_413 : i32 to index
        %get3A_415 = arith.index_cast %mul3A_412 : i32 to index
        %get3A_416 = tpu.vector_load %arg6[%get3A_414, %get3A_415] {strides = array<i32>} : memref<16x640xf32, #tpu.memory_space<vmem>>, vector<16xf32>,
        %add3A_417 = arith.constant 11 : i32
        %add3A_418 = arith.addi %mul3A_300, %add3A_417 : i32
        %add3A_419 = vector.broadcast %add3A_418 : i32 to vector<16xi32>
        %add3A_420 = arith.addi %add3A_419, %mul3A_4 : vector<16xi32>
        tpu.vector_store_idx %arg8[%add3A_420], %get3A_416 : memref<10240xf32, #tpu.memory_space<vmem>>[vector<16xi32>], vector<16xf32>,
        %mul3A_421 = arith.constant 16 : i32
        %mul3A_422 = arith.muli %scan3A_298, %mul3A_421 : i32
        %get3A_423 = arith.constant 12 : i32
        %get3A_424 = arith.index_cast %get3A_423 : i32 to index
        %get3A_425 = arith.index_cast %mul3A_422 : i32 to index
        %get3A_426 = tpu.vector_load %arg6[%get3A_424, %get3A_425] {strides = array<i32>} : memref<16x640xf32, #tpu.memory_space<vmem>>, vector<16xf32>,
        %add3A_427 = arith.constant 12 : i32
        %add3A_428 = arith.addi %mul3A_300, %add3A_427 : i32
        %add3A_429 = vector.broadcast %add3A_428 : i32 to vector<16xi32>
        %add3A_430 = arith.addi %add3A_429, %mul3A_4 : vector<16xi32>
        tpu.vector_store_idx %arg8[%add3A_430], %get3A_426 : memref<10240xf32, #tpu.memory_space<vmem>>[vector<16xi32>], vector<16xf32>,
        %mul3A_431 = arith.constant 16 : i32
        %mul3A_432 = arith.muli %scan3A_298, %mul3A_431 : i32
        %get3A_433 = arith.constant 13 : i32
        %get3A_434 = arith.index_cast %get3A_433 : i32 to index
        %get3A_435 = arith.index_cast %mul3A_432 : i32 to index
        %get3A_436 = tpu.vector_load %arg6[%get3A_434, %get3A_435] {strides = array<i32>} : memref<16x640xf32, #tpu.memory_space<vmem>>, vector<16xf32>,
        %add3A_437 = arith.constant 13 : i32
        %add3A_438 = arith.addi %mul3A_300, %add3A_437 : i32
        %add3A_439 = vector.broadcast %add3A_438 : i32 to vector<16xi32>
        %add3A_440 = arith.addi %add3A_439, %mul3A_4 : vector<16xi32>
        tpu.vector_store_idx %arg8[%add3A_440], %get3A_436 : memref<10240xf32, #tpu.memory_space<vmem>>[vector<16xi32>], vector<16xf32>,
        %mul3A_441 = arith.constant 16 : i32
        %mul3A_442 = arith.muli %scan3A_298, %mul3A_441 : i32
        %get3A_443 = arith.constant 14 : i32
        %get3A_444 = arith.index_cast %get3A_443 : i32 to index
        %get3A_445 = arith.index_cast %mul3A_442 : i32 to index
        %get3A_446 = tpu.vector_load %arg6[%get3A_444, %get3A_445] {strides = array<i32>} : memref<16x640xf32, #tpu.memory_space<vmem>>, vector<16xf32>,
        %add3A_447 = arith.constant 14 : i32
        %add3A_448 = arith.addi %mul3A_300, %add3A_447 : i32
        %add3A_449 = vector.broadcast %add3A_448 : i32 to vector<16xi32>
        %add3A_450 = arith.addi %add3A_449, %mul3A_4 : vector<16xi32>
        tpu.vector_store_idx %arg8[%add3A_450], %get3A_446 : memref<10240xf32, #tpu.memory_space<vmem>>[vector<16xi32>], vector<16xf32>,
        %mul3A_451 = arith.constant 16 : i32
        %mul3A_452 = arith.muli %scan3A_298, %mul3A_451 : i32
        %get3A_453 = arith.constant 15 : i32
        %get3A_454 = arith.index_cast %get3A_453 : i32 to index
        %get3A_455 = arith.index_cast %mul3A_452 : i32 to index
        %get3A_456 = tpu.vector_load %arg6[%get3A_454, %get3A_455] {strides = array<i32>} : memref<16x640xf32, #tpu.memory_space<vmem>>, vector<16xf32>,
        %add3A_457 = arith.constant 15 : i32
        %add3A_458 = arith.addi %mul3A_300, %add3A_457 : i32
        %add3A_459 = vector.broadcast %add3A_458 : i32 to vector<16xi32>
        %add3A_460 = arith.addi %add3A_459, %mul3A_4 : vector<16xi32>
        tpu.vector_store_idx %arg8[%add3A_460], %get3A_456 : memref<10240xf32, #tpu.memory_space<vmem>>[vector<16xi32>], vector<16xf32>,
      }
      %scan3A_121 = arith.constant 40 : i32
      %add3A_122 = arith.constant 1 : i32
      %add3A_123 = arith.addi %mul3A_57, %add3A_122 : i32
      %mul3A_124 = arith.constant 5 : i32
      %mul3A_125 = arith.muli %add3A_123, %mul3A_124 : i32
      %add3A_126 = arith.addi %mul3A_6, %mul3A_125 : i32
      %mul3A_127 = arith.constant 128 : i32
      %mul3A_128 = arith.muli %add3A_126, %mul3A_127 : i32
      %min3A_129 = arith.constant 2599296 : i32
      %min3A_130 = arith.minsi %mul3A_128, %min3A_129 : i32
      %mul3A_131 = arith.constant 16 : i32
      %mul3A_132 = arith.muli %min3A_130, %mul3A_131 : i32
      %dma_start3A_133 = tpu.memref_slice %arg4[%mul3A_132] : memref<41600000xf32, #tpu.memory_space<hbm>> -> memref<10240xf32, #tpu.memory_space<hbm>>
      %dma_start3A_134 = tpu.memref_slice %arg4[%mul3A_132] : memref<41600000xf32, #tpu.memory_space<hbm>> -> memref<10240xf32, #tpu.memory_space<hbm>>
      tpu.enqueue_dma source(%arg8 : memref<10240xf32, #tpu.memory_space<vmem>>) target(%dma_start3A_134 : memref<10240xf32, #tpu.memory_space<hbm>>) target_semaphore(%arg13 : memref<!tpu.dma_semaphore, #tpu.memory_space<semaphore_mem>>)
    }
    %scan3A_19 = arith.constant 63 : i32
    %dma_wait3A = arith.constant 0 : i32
    %dma_wait3A_20 = arith.constant 0 : i32
    %dma_wait3A_21 = tpu.memref_slice %arg2[%dma_wait3A, %dma_wait3A_20] : memref<16x2600000xf32, #tpu.memory_space<hbm>> -> memref<16x640xf32, #tpu.memory_space<hbm>>
    %dma_wait3A_22 = arith.constant 0 : i32
    %dma_wait3A_23 = arith.constant 0 : i32
    %dma_wait3A_24 = tpu.memref_slice %arg2[%dma_wait3A_22, %dma_wait3A_23] : memref<16x2600000xf32, #tpu.memory_space<hbm>> -> memref<16x640xf32, #tpu.memory_space<hbm>>
    tpu.wait_dma2 semaphore(%arg10 : memref<!tpu.dma_semaphore, #tpu.memory_space<semaphore_mem>>) src(%dma_wait3A_24 : memref<16x640xf32, #tpu.memory_space<hbm>>) dst(%arg5 : memref<16x640xf32, #tpu.memory_space<vmem>>)
    %dma_wait3A_25 = arith.constant 0 : i32
    %dma_wait3A_26 = tpu.memref_slice %arg4[%dma_wait3A_25] : memref<41600000xf32, #tpu.memory_space<hbm>> -> memref<10240xf32, #tpu.memory_space<hbm>>
    %dma_wait3A_27 = arith.constant 0 : i32
    %dma_wait3A_28 = tpu.memref_slice %arg4[%dma_wait3A_27] : memref<41600000xf32, #tpu.memory_space<hbm>> -> memref<10240xf32, #tpu.memory_space<hbm>>
    tpu.wait_dma2 semaphore(%arg12 : memref<!tpu.dma_semaphore, #tpu.memory_space<semaphore_mem>>) src(%arg7 : memref<10240xf32, #tpu.memory_space<vmem>>) dst(%dma_wait3A_28 : memref<10240xf32, #tpu.memory_space<hbm>>)
    %scan3A_29 = arith.constant 0 : i32
    %scan3A_30 = arith.constant 0 : i32
    %scan3A_31 = arith.constant 40 : i32
    %scan3A_32 = arith.addi %scan3A_30, %scan3A_31 : i32
    %scan3A_33 = arith.constant 2 : i32
    scf.for %scan3A_55 = %scan3A_30 to %scan3A_32 step %scan3A_33  : i32 {
      %mul3A_56 = arith.constant 256 : i32
      %mul3A_57 = arith.muli %scan3A_55, %mul3A_56 : i32
      %mul3A_58 = arith.constant 16 : i32
      %mul3A_59 = arith.muli %scan3A_55, %mul3A_58 : i32
      %get3A = arith.constant 0 : i32
      %get3A_60 = arith.index_cast %get3A : i32 to index
      %get3A_61 = arith.index_cast %mul3A_59 : i32 to index
      %get3A_62 = tpu.vector_load %arg5[%get3A_60, %get3A_61] {strides = array<i32>} : memref<16x640xf32, #tpu.memory_space<vmem>>, vector<16xf32>,
      %add3A_63 = arith.constant 0 : i32
      %add3A_64 = arith.addi %mul3A_57, %add3A_63 : i32
      %add3A_65 = vector.broadcast %add3A_64 : i32 to vector<16xi32>
      %add3A_66 = arith.addi %add3A_65, %mul3A_4 : vector<16xi32>
      tpu.vector_store_idx %arg7[%add3A_66], %get3A_62 : memref<10240xf32, #tpu.memory_space<vmem>>[vector<16xi32>], vector<16xf32>,
      %mul3A_67 = arith.constant 16 : i32
      %mul3A_68 = arith.muli %scan3A_55, %mul3A_67 : i32
      %get3A_69 = arith.constant 1 : i32
      %get3A_70 = arith.index_cast %get3A_69 : i32 to index
      %get3A_71 = arith.index_cast %mul3A_68 : i32 to index
      %get3A_72 = tpu.vector_load %arg5[%get3A_70, %get3A_71] {strides = array<i32>} : memref<16x640xf32, #tpu.memory_space<vmem>>, vector<16xf32>,
      %add3A_73 = arith.constant 1 : i32
      %add3A_74 = arith.addi %mul3A_57, %add3A_73 : i32
      %add3A_75 = vector.broadcast %add3A_74 : i32 to vector<16xi32>
      %add3A_76 = arith.addi %add3A_75, %mul3A_4 : vector<16xi32>
      tpu.vector_store_idx %arg7[%add3A_76], %get3A_72 : memref<10240xf32, #tpu.memory_space<vmem>>[vector<16xi32>], vector<16xf32>,
      %mul3A_77 = arith.constant 16 : i32
      %mul3A_78 = arith.muli %scan3A_55, %mul3A_77 : i32
      %get3A_79 = arith.constant 2 : i32
      %get3A_80 = arith.index_cast %get3A_79 : i32 to index
      %get3A_81 = arith.index_cast %mul3A_78 : i32 to index
      %get3A_82 = tpu.vector_load %arg5[%get3A_80, %get3A_81] {strides = array<i32>} : memref<16x640xf32, #tpu.memory_space<vmem>>, vector<16xf32>,
      %add3A_83 = arith.constant 2 : i32
      %add3A_84 = arith.addi %mul3A_57, %add3A_83 : i32
      %add3A_85 = vector.broadcast %add3A_84 : i32 to vector<16xi32>
      %add3A_86 = arith.addi %add3A_85, %mul3A_4 : vector<16xi32>
      tpu.vector_store_idx %arg7[%add3A_86], %get3A_82 : memref<10240xf32, #tpu.memory_space<vmem>>[vector<16xi32>], vector<16xf32>,
      %mul3A_87 = arith.constant 16 : i32
      %mul3A_88 = arith.muli %scan3A_55, %mul3A_87 : i32
      %get3A_89 = arith.constant 3 : i32
      %get3A_90 = arith.index_cast %get3A_89 : i32 to index
      %get3A_91 = arith.index_cast %mul3A_88 : i32 to index
      %get3A_92 = tpu.vector_load %arg5[%get3A_90, %get3A_91] {strides = array<i32>} : memref<16x640xf32, #tpu.memory_space<vmem>>, vector<16xf32>,
      %add3A_93 = arith.constant 3 : i32
      %add3A_94 = arith.addi %mul3A_57, %add3A_93 : i32
      %add3A_95 = vector.broadcast %add3A_94 : i32 to vector<16xi32>
      %add3A_96 = arith.addi %add3A_95, %mul3A_4 : vector<16xi32>
      tpu.vector_store_idx %arg7[%add3A_96], %get3A_92 : memref<10240xf32, #tpu.memory_space<vmem>>[vector<16xi32>], vector<16xf32>,
      %mul3A_97 = arith.constant 16 : i32
      %mul3A_98 = arith.muli %scan3A_55, %mul3A_97 : i32
      %get3A_99 = arith.constant 4 : i32
      %get3A_100 = arith.index_cast %get3A_99 : i32 to index
      %get3A_101 = arith.index_cast %mul3A_98 : i32 to index
      %get3A_102 = tpu.vector_load %arg5[%get3A_100, %get3A_101] {strides = array<i32>} : memref<16x640xf32, #tpu.memory_space<vmem>>, vector<16xf32>,
      %add3A_103 = arith.constant 4 : i32
      %add3A_104 = arith.addi %mul3A_57, %add3A_103 : i32
      %add3A_105 = vector.broadcast %add3A_104 : i32 to vector<16xi32>
      %add3A_106 = arith.addi %add3A_105, %mul3A_4 : vector<16xi32>
      tpu.vector_store_idx %arg7[%add3A_106], %get3A_102 : memref<10240xf32, #tpu.memory_space<vmem>>[vector<16xi32>], vector<16xf32>,
      %mul3A_107 = arith.constant 16 : i32
      %mul3A_108 = arith.muli %scan3A_55, %mul3A_107 : i32
      %get3A_109 = arith.constant 5 : i32
      %get3A_110 = arith.index_cast %get3A_109 : i32 to index
      %get3A_111 = arith.index_cast %mul3A_108 : i32 to index
      %get3A_112 = tpu.vector_load %arg5[%get3A_110, %get3A_111] {strides = array<i32>} : memref<16x640xf32, #tpu.memory_space<vmem>>, vector<16xf32>,
      %add3A_113 = arith.constant 5 : i32
      %add3A_114 = arith.addi %mul3A_57, %add3A_113 : i32
      %add3A_115 = vector.broadcast %add3A_114 : i32 to vector<16xi32>
      %add3A_116 = arith.addi %add3A_115, %mul3A_4 : vector<16xi32>
      tpu.vector_store_idx %arg7[%add3A_116], %get3A_112 : memref<10240xf32, #tpu.memory_space<vmem>>[vector<16xi32>], vector<16xf32>,
      %mul3A_117 = arith.constant 16 : i32
      %mul3A_118 = arith.muli %scan3A_55, %mul3A_117 : i32
      %get3A_119 = arith.constant 6 : i32
      %get3A_120 = arith.index_cast %get3A_119 : i32 to index
      %get3A_121 = arith.index_cast %mul3A_118 : i32 to index
      %get3A_122 = tpu.vector_load %arg5[%get3A_120, %get3A_121] {strides = array<i32>} : memref<16x640xf32, #tpu.memory_space<vmem>>, vector<16xf32>,
      %add3A_123 = arith.constant 6 : i32
      %add3A_124 = arith.addi %mul3A_57, %add3A_123 : i32
      %add3A_125 = vector.broadcast %add3A_124 : i32 to vector<16xi32>
      %add3A_126 = arith.addi %add3A_125, %mul3A_4 : vector<16xi32>
      tpu.vector_store_idx %arg7[%add3A_126], %get3A_122 : memref<10240xf32, #tpu.memory_space<vmem>>[vector<16xi32>], vector<16xf32>,
      %mul3A_127 = arith.constant 16 : i32
      %mul3A_128 = arith.muli %scan3A_55, %mul3A_127 : i32
      %get3A_129 = arith.constant 7 : i32
      %get3A_130 = arith.index_cast %get3A_129 : i32 to index
      %get3A_131 = arith.index_cast %mul3A_128 : i32 to index
      %get3A_132 = tpu.vector_load %arg5[%get3A_130, %get3A_131] {strides = array<i32>} : memref<16x640xf32, #tpu.memory_space<vmem>>, vector<16xf32>,
      %add3A_133 = arith.constant 7 : i32
      %add3A_134 = arith.addi %mul3A_57, %add3A_133 : i32
      %add3A_135 = vector.broadcast %add3A_134 : i32 to vector<16xi32>
      %add3A_136 = arith.addi %add3A_135, %mul3A_4 : vector<16xi32>
      tpu.vector_store_idx %arg7[%add3A_136], %get3A_132 : memref<10240xf32, #tpu.memory_space<vmem>>[vector<16xi32>], vector<16xf32>,
      %mul3A_137 = arith.constant 16 : i32
      %mul3A_138 = arith.muli %scan3A_55, %mul3A_137 : i32
      %get3A_139 = arith.constant 8 : i32
      %get3A_140 = arith.index_cast %get3A_139 : i32 to index
      %get3A_141 = arith.index_cast %mul3A_138 : i32 to index
      %get3A_142 = tpu.vector_load %arg5[%get3A_140, %get3A_141] {strides = array<i32>} : memref<16x640xf32, #tpu.memory_space<vmem>>, vector<16xf32>,
      %add3A_143 = arith.constant 8 : i32
      %add3A_144 = arith.addi %mul3A_57, %add3A_143 : i32
      %add3A_145 = vector.broadcast %add3A_144 : i32 to vector<16xi32>
      %add3A_146 = arith.addi %add3A_145, %mul3A_4 : vector<16xi32>
      tpu.vector_store_idx %arg7[%add3A_146], %get3A_142 : memref<10240xf32, #tpu.memory_space<vmem>>[vector<16xi32>], vector<16xf32>,
      %mul3A_147 = arith.constant 16 : i32
      %mul3A_148 = arith.muli %scan3A_55, %mul3A_147 : i32
      %get3A_149 = arith.constant 9 : i32
      %get3A_150 = arith.index_cast %get3A_149 : i32 to index
      %get3A_151 = arith.index_cast %mul3A_148 : i32 to index
      %get3A_152 = tpu.vector_load %arg5[%get3A_150, %get3A_151] {strides = array<i32>} : memref<16x640xf32, #tpu.memory_space<vmem>>, vector<16xf32>,
      %add3A_153 = arith.constant 9 : i32
      %add3A_154 = arith.addi %mul3A_57, %add3A_153 : i32
      %add3A_155 = vector.broadcast %add3A_154 : i32 to vector<16xi32>
      %add3A_156 = arith.addi %add3A_155, %mul3A_4 : vector<16xi32>
      tpu.vector_store_idx %arg7[%add3A_156], %get3A_152 : memref<10240xf32, #tpu.memory_space<vmem>>[vector<16xi32>], vector<16xf32>,
      %mul3A_157 = arith.constant 16 : i32
      %mul3A_158 = arith.muli %scan3A_55, %mul3A_157 : i32
      %get3A_159 = arith.constant 10 : i32
      %get3A_160 = arith.index_cast %get3A_159 : i32 to index
      %get3A_161 = arith.index_cast %mul3A_158 : i32 to index
      %get3A_162 = tpu.vector_load %arg5[%get3A_160, %get3A_161] {strides = array<i32>} : memref<16x640xf32, #tpu.memory_space<vmem>>, vector<16xf32>,
      %add3A_163 = arith.constant 10 : i32
      %add3A_164 = arith.addi %mul3A_57, %add3A_163 : i32
      %add3A_165 = vector.broadcast %add3A_164 : i32 to vector<16xi32>
      %add3A_166 = arith.addi %add3A_165, %mul3A_4 : vector<16xi32>
      tpu.vector_store_idx %arg7[%add3A_166], %get3A_162 : memref<10240xf32, #tpu.memory_space<vmem>>[vector<16xi32>], vector<16xf32>,
      %mul3A_167 = arith.constant 16 : i32
      %mul3A_168 = arith.muli %scan3A_55, %mul3A_167 : i32
      %get3A_169 = arith.constant 11 : i32
      %get3A_170 = arith.index_cast %get3A_169 : i32 to index
      %get3A_171 = arith.index_cast %mul3A_168 : i32 to index
      %get3A_172 = tpu.vector_load %arg5[%get3A_170, %get3A_171] {strides = array<i32>} : memref<16x640xf32, #tpu.memory_space<vmem>>, vector<16xf32>,
      %add3A_173 = arith.constant 11 : i32
      %add3A_174 = arith.addi %mul3A_57, %add3A_173 : i32
      %add3A_175 = vector.broadcast %add3A_174 : i32 to vector<16xi32>
      %add3A_176 = arith.addi %add3A_175, %mul3A_4 : vector<16xi32>
      tpu.vector_store_idx %arg7[%add3A_176], %get3A_172 : memref<10240xf32, #tpu.memory_space<vmem>>[vector<16xi32>], vector<16xf32>,
      %mul3A_177 = arith.constant 16 : i32
      %mul3A_178 = arith.muli %scan3A_55, %mul3A_177 : i32
      %get3A_179 = arith.constant 12 : i32
      %get3A_180 = arith.index_cast %get3A_179 : i32 to index
      %get3A_181 = arith.index_cast %mul3A_178 : i32 to index
      %get3A_182 = tpu.vector_load %arg5[%get3A_180, %get3A_181] {strides = array<i32>} : memref<16x640xf32, #tpu.memory_space<vmem>>, vector<16xf32>,
      %add3A_183 = arith.constant 12 : i32
      %add3A_184 = arith.addi %mul3A_57, %add3A_183 : i32
      %add3A_185 = vector.broadcast %add3A_184 : i32 to vector<16xi32>
      %add3A_186 = arith.addi %add3A_185, %mul3A_4 : vector<16xi32>
      tpu.vector_store_idx %arg7[%add3A_186], %get3A_182 : memref<10240xf32, #tpu.memory_space<vmem>>[vector<16xi32>], vector<16xf32>,
      %mul3A_187 = arith.constant 16 : i32
      %mul3A_188 = arith.muli %scan3A_55, %mul3A_187 : i32
      %get3A_189 = arith.constant 13 : i32
      %get3A_190 = arith.index_cast %get3A_189 : i32 to index
      %get3A_191 = arith.index_cast %mul3A_188 : i32 to index
      %get3A_192 = tpu.vector_load %arg5[%get3A_190, %get3A_191] {strides = array<i32>} : memref<16x640xf32, #tpu.memory_space<vmem>>, vector<16xf32>,
      %add3A_193 = arith.constant 13 : i32
      %add3A_194 = arith.addi %mul3A_57, %add3A_193 : i32
      %add3A_195 = vector.broadcast %add3A_194 : i32 to vector<16xi32>
      %add3A_196 = arith.addi %add3A_195, %mul3A_4 : vector<16xi32>
      tpu.vector_store_idx %arg7[%add3A_196], %get3A_192 : memref<10240xf32, #tpu.memory_space<vmem>>[vector<16xi32>], vector<16xf32>,
      %mul3A_197 = arith.constant 16 : i32
      %mul3A_198 = arith.muli %scan3A_55, %mul3A_197 : i32
      %get3A_199 = arith.constant 14 : i32
      %get3A_200 = arith.index_cast %get3A_199 : i32 to index
      %get3A_201 = arith.index_cast %mul3A_198 : i32 to index
      %get3A_202 = tpu.vector_load %arg5[%get3A_200, %get3A_201] {strides = array<i32>} : memref<16x640xf32, #tpu.memory_space<vmem>>, vector<16xf32>,
      %add3A_203 = arith.constant 14 : i32
      %add3A_204 = arith.addi %mul3A_57, %add3A_203 : i32
      %add3A_205 = vector.broadcast %add3A_204 : i32 to vector<16xi32>
      %add3A_206 = arith.addi %add3A_205, %mul3A_4 : vector<16xi32>
      tpu.vector_store_idx %arg7[%add3A_206], %get3A_202 : memref<10240xf32, #tpu.memory_space<vmem>>[vector<16xi32>], vector<16xf32>,
      %mul3A_207 = arith.constant 16 : i32
      %mul3A_208 = arith.muli %scan3A_55, %mul3A_207 : i32
      %get3A_209 = arith.constant 15 : i32
      %get3A_210 = arith.index_cast %get3A_209 : i32 to index
      %get3A_211 = arith.index_cast %mul3A_208 : i32 to index
      %get3A_212 = tpu.vector_load %arg5[%get3A_210, %get3A_211] {strides = array<i32>} : memref<16x640xf32, #tpu.memory_space<vmem>>, vector<16xf32>,
      %add3A_213 = arith.constant 15 : i32
      %add3A_214 = arith.addi %mul3A_57, %add3A_213 : i32
      %add3A_215 = vector.broadcast %add3A_214 : i32 to vector<16xi32>
      %add3A_216 = arith.addi %add3A_215, %mul3A_4 : vector<16xi32>
      tpu.vector_store_idx %arg7[%add3A_216], %get3A_212 : memref<10240xf32, #tpu.memory_space<vmem>>[vector<16xi32>], vector<16xf32>,
      %scan3A_217 = arith.constant 1 : i32
      %scan3A_218 = arith.addi %scan3A_55, %scan3A_217 : i32
      %mul3A_219 = arith.constant 256 : i32
      %mul3A_220 = arith.muli %scan3A_218, %mul3A_219 : i32
      %mul3A_221 = arith.constant 16 : i32
      %mul3A_222 = arith.muli %scan3A_218, %mul3A_221 : i32
      %get3A_223 = arith.constant 0 : i32
      %get3A_224 = arith.index_cast %get3A_223 : i32 to index
      %get3A_225 = arith.index_cast %mul3A_222 : i32 to index
      %get3A_226 = tpu.vector_load %arg5[%get3A_224, %get3A_225] {strides = array<i32>} : memref<16x640xf32, #tpu.memory_space<vmem>>, vector<16xf32>,
      %add3A_227 = arith.constant 0 : i32
      %add3A_228 = arith.addi %mul3A_220, %add3A_227 : i32
      %add3A_229 = vector.broadcast %add3A_228 : i32 to vector<16xi32>
      %add3A_230 = arith.addi %add3A_229, %mul3A_4 : vector<16xi32>
      tpu.vector_store_idx %arg7[%add3A_230], %get3A_226 : memref<10240xf32, #tpu.memory_space<vmem>>[vector<16xi32>], vector<16xf32>,
      %mul3A_231 = arith.constant 16 : i32
      %mul3A_232 = arith.muli %scan3A_218, %mul3A_231 : i32
      %get3A_233 = arith.constant 1 : i32
      %get3A_234 = arith.index_cast %get3A_233 : i32 to index
      %get3A_235 = arith.index_cast %mul3A_232 : i32 to index
      %get3A_236 = tpu.vector_load %arg5[%get3A_234, %get3A_235] {strides = array<i32>} : memref<16x640xf32, #tpu.memory_space<vmem>>, vector<16xf32>,
      %add3A_237 = arith.constant 1 : i32
      %add3A_238 = arith.addi %mul3A_220, %add3A_237 : i32
      %add3A_239 = vector.broadcast %add3A_238 : i32 to vector<16xi32>
      %add3A_240 = arith.addi %add3A_239, %mul3A_4 : vector<16xi32>
      tpu.vector_store_idx %arg7[%add3A_240], %get3A_236 : memref<10240xf32, #tpu.memory_space<vmem>>[vector<16xi32>], vector<16xf32>,
      %mul3A_241 = arith.constant 16 : i32
      %mul3A_242 = arith.muli %scan3A_218, %mul3A_241 : i32
      %get3A_243 = arith.constant 2 : i32
      %get3A_244 = arith.index_cast %get3A_243 : i32 to index
      %get3A_245 = arith.index_cast %mul3A_242 : i32 to index
      %get3A_246 = tpu.vector_load %arg5[%get3A_244, %get3A_245] {strides = array<i32>} : memref<16x640xf32, #tpu.memory_space<vmem>>, vector<16xf32>,
      %add3A_247 = arith.constant 2 : i32
      %add3A_248 = arith.addi %mul3A_220, %add3A_247 : i32
      %add3A_249 = vector.broadcast %add3A_248 : i32 to vector<16xi32>
      %add3A_250 = arith.addi %add3A_249, %mul3A_4 : vector<16xi32>
      tpu.vector_store_idx %arg7[%add3A_250], %get3A_246 : memref<10240xf32, #tpu.memory_space<vmem>>[vector<16xi32>], vector<16xf32>,
      %mul3A_251 = arith.constant 16 : i32
      %mul3A_252 = arith.muli %scan3A_218, %mul3A_251 : i32
      %get3A_253 = arith.constant 3 : i32
      %get3A_254 = arith.index_cast %get3A_253 : i32 to index
      %get3A_255 = arith.index_cast %mul3A_252 : i32 to index
      %get3A_256 = tpu.vector_load %arg5[%get3A_254, %get3A_255] {strides = array<i32>} : memref<16x640xf32, #tpu.memory_space<vmem>>, vector<16xf32>,
      %add3A_257 = arith.constant 3 : i32
      %add3A_258 = arith.addi %mul3A_220, %add3A_257 : i32
      %add3A_259 = vector.broadcast %add3A_258 : i32 to vector<16xi32>
      %add3A_260 = arith.addi %add3A_259, %mul3A_4 : vector<16xi32>
      tpu.vector_store_idx %arg7[%add3A_260], %get3A_256 : memref<10240xf32, #tpu.memory_space<vmem>>[vector<16xi32>], vector<16xf32>,
      %mul3A_261 = arith.constant 16 : i32
      %mul3A_262 = arith.muli %scan3A_218, %mul3A_261 : i32
      %get3A_263 = arith.constant 4 : i32
      %get3A_264 = arith.index_cast %get3A_263 : i32 to index
      %get3A_265 = arith.index_cast %mul3A_262 : i32 to index
      %get3A_266 = tpu.vector_load %arg5[%get3A_264, %get3A_265] {strides = array<i32>} : memref<16x640xf32, #tpu.memory_space<vmem>>, vector<16xf32>,
      %add3A_267 = arith.constant 4 : i32
      %add3A_268 = arith.addi %mul3A_220, %add3A_267 : i32
      %add3A_269 = vector.broadcast %add3A_268 : i32 to vector<16xi32>
      %add3A_270 = arith.addi %add3A_269, %mul3A_4 : vector<16xi32>
      tpu.vector_store_idx %arg7[%add3A_270], %get3A_266 : memref<10240xf32, #tpu.memory_space<vmem>>[vector<16xi32>], vector<16xf32>,
      %mul3A_271 = arith.constant 16 : i32
      %mul3A_272 = arith.muli %scan3A_218, %mul3A_271 : i32
      %get3A_273 = arith.constant 5 : i32
      %get3A_274 = arith.index_cast %get3A_273 : i32 to index
      %get3A_275 = arith.index_cast %mul3A_272 : i32 to index
      %get3A_276 = tpu.vector_load %arg5[%get3A_274, %get3A_275] {strides = array<i32>} : memref<16x640xf32, #tpu.memory_space<vmem>>, vector<16xf32>,
      %add3A_277 = arith.constant 5 : i32
      %add3A_278 = arith.addi %mul3A_220, %add3A_277 : i32
      %add3A_279 = vector.broadcast %add3A_278 : i32 to vector<16xi32>
      %add3A_280 = arith.addi %add3A_279, %mul3A_4 : vector<16xi32>
      tpu.vector_store_idx %arg7[%add3A_280], %get3A_276 : memref<10240xf32, #tpu.memory_space<vmem>>[vector<16xi32>], vector<16xf32>,
      %mul3A_281 = arith.constant 16 : i32
      %mul3A_282 = arith.muli %scan3A_218, %mul3A_281 : i32
      %get3A_283 = arith.constant 6 : i32
      %get3A_284 = arith.index_cast %get3A_283 : i32 to index
      %get3A_285 = arith.index_cast %mul3A_282 : i32 to index
      %get3A_286 = tpu.vector_load %arg5[%get3A_284, %get3A_285] {strides = array<i32>} : memref<16x640xf32, #tpu.memory_space<vmem>>, vector<16xf32>,
      %add3A_287 = arith.constant 6 : i32
      %add3A_288 = arith.addi %mul3A_220, %add3A_287 : i32
      %add3A_289 = vector.broadcast %add3A_288 : i32 to vector<16xi32>
      %add3A_290 = arith.addi %add3A_289, %mul3A_4 : vector<16xi32>
      tpu.vector_store_idx %arg7[%add3A_290], %get3A_286 : memref<10240xf32, #tpu.memory_space<vmem>>[vector<16xi32>], vector<16xf32>,
      %mul3A_291 = arith.constant 16 : i32
      %mul3A_292 = arith.muli %scan3A_218, %mul3A_291 : i32
      %get3A_293 = arith.constant 7 : i32
      %get3A_294 = arith.index_cast %get3A_293 : i32 to index
      %get3A_295 = arith.index_cast %mul3A_292 : i32 to index
      %get3A_296 = tpu.vector_load %arg5[%get3A_294, %get3A_295] {strides = array<i32>} : memref<16x640xf32, #tpu.memory_space<vmem>>, vector<16xf32>,
      %add3A_297 = arith.constant 7 : i32
      %add3A_298 = arith.addi %mul3A_220, %add3A_297 : i32
      %add3A_299 = vector.broadcast %add3A_298 : i32 to vector<16xi32>
      %add3A_300 = arith.addi %add3A_299, %mul3A_4 : vector<16xi32>
      tpu.vector_store_idx %arg7[%add3A_300], %get3A_296 : memref<10240xf32, #tpu.memory_space<vmem>>[vector<16xi32>], vector<16xf32>,
      %mul3A_301 = arith.constant 16 : i32
      %mul3A_302 = arith.muli %scan3A_218, %mul3A_301 : i32
      %get3A_303 = arith.constant 8 : i32
      %get3A_304 = arith.index_cast %get3A_303 : i32 to index
      %get3A_305 = arith.index_cast %mul3A_302 : i32 to index
      %get3A_306 = tpu.vector_load %arg5[%get3A_304, %get3A_305] {strides = array<i32>} : memref<16x640xf32, #tpu.memory_space<vmem>>, vector<16xf32>,
      %add3A_307 = arith.constant 8 : i32
      %add3A_308 = arith.addi %mul3A_220, %add3A_307 : i32
      %add3A_309 = vector.broadcast %add3A_308 : i32 to vector<16xi32>
      %add3A_310 = arith.addi %add3A_309, %mul3A_4 : vector<16xi32>
      tpu.vector_store_idx %arg7[%add3A_310], %get3A_306 : memref<10240xf32, #tpu.memory_space<vmem>>[vector<16xi32>], vector<16xf32>,
      %mul3A_311 = arith.constant 16 : i32
      %mul3A_312 = arith.muli %scan3A_218, %mul3A_311 : i32
      %get3A_313 = arith.constant 9 : i32
      %get3A_314 = arith.index_cast %get3A_313 : i32 to index
      %get3A_315 = arith.index_cast %mul3A_312 : i32 to index
      %get3A_316 = tpu.vector_load %arg5[%get3A_314, %get3A_315] {strides = array<i32>} : memref<16x640xf32, #tpu.memory_space<vmem>>, vector<16xf32>,
      %add3A_317 = arith.constant 9 : i32
      %add3A_318 = arith.addi %mul3A_220, %add3A_317 : i32
      %add3A_319 = vector.broadcast %add3A_318 : i32 to vector<16xi32>
      %add3A_320 = arith.addi %add3A_319, %mul3A_4 : vector<16xi32>
      tpu.vector_store_idx %arg7[%add3A_320], %get3A_316 : memref<10240xf32, #tpu.memory_space<vmem>>[vector<16xi32>], vector<16xf32>,
      %mul3A_321 = arith.constant 16 : i32
      %mul3A_322 = arith.muli %scan3A_218, %mul3A_321 : i32
      %get3A_323 = arith.constant 10 : i32
      %get3A_324 = arith.index_cast %get3A_323 : i32 to index
      %get3A_325 = arith.index_cast %mul3A_322 : i32 to index
      %get3A_326 = tpu.vector_load %arg5[%get3A_324, %get3A_325] {strides = array<i32>} : memref<16x640xf32, #tpu.memory_space<vmem>>, vector<16xf32>,
      %add3A_327 = arith.constant 10 : i32
      %add3A_328 = arith.addi %mul3A_220, %add3A_327 : i32
      %add3A_329 = vector.broadcast %add3A_328 : i32 to vector<16xi32>
      %add3A_330 = arith.addi %add3A_329, %mul3A_4 : vector<16xi32>
      tpu.vector_store_idx %arg7[%add3A_330], %get3A_326 : memref<10240xf32, #tpu.memory_space<vmem>>[vector<16xi32>], vector<16xf32>,
      %mul3A_331 = arith.constant 16 : i32
      %mul3A_332 = arith.muli %scan3A_218, %mul3A_331 : i32
      %get3A_333 = arith.constant 11 : i32
      %get3A_334 = arith.index_cast %get3A_333 : i32 to index
      %get3A_335 = arith.index_cast %mul3A_332 : i32 to index
      %get3A_336 = tpu.vector_load %arg5[%get3A_334, %get3A_335] {strides = array<i32>} : memref<16x640xf32, #tpu.memory_space<vmem>>, vector<16xf32>,
      %add3A_337 = arith.constant 11 : i32
      %add3A_338 = arith.addi %mul3A_220, %add3A_337 : i32
      %add3A_339 = vector.broadcast %add3A_338 : i32 to vector<16xi32>
      %add3A_340 = arith.addi %add3A_339, %mul3A_4 : vector<16xi32>
      tpu.vector_store_idx %arg7[%add3A_340], %get3A_336 : memref<10240xf32, #tpu.memory_space<vmem>>[vector<16xi32>], vector<16xf32>,
      %mul3A_341 = arith.constant 16 : i32
      %mul3A_342 = arith.muli %scan3A_218, %mul3A_341 : i32
      %get3A_343 = arith.constant 12 : i32
      %get3A_344 = arith.index_cast %get3A_343 : i32 to index
      %get3A_345 = arith.index_cast %mul3A_342 : i32 to index
      %get3A_346 = tpu.vector_load %arg5[%get3A_344, %get3A_345] {strides = array<i32>} : memref<16x640xf32, #tpu.memory_space<vmem>>, vector<16xf32>,
      %add3A_347 = arith.constant 12 : i32
      %add3A_348 = arith.addi %mul3A_220, %add3A_347 : i32
      %add3A_349 = vector.broadcast %add3A_348 : i32 to vector<16xi32>
      %add3A_350 = arith.addi %add3A_349, %mul3A_4 : vector<16xi32>
      tpu.vector_store_idx %arg7[%add3A_350], %get3A_346 : memref<10240xf32, #tpu.memory_space<vmem>>[vector<16xi32>], vector<16xf32>,
      %mul3A_351 = arith.constant 16 : i32
      %mul3A_352 = arith.muli %scan3A_218, %mul3A_351 : i32
      %get3A_353 = arith.constant 13 : i32
      %get3A_354 = arith.index_cast %get3A_353 : i32 to index
      %get3A_355 = arith.index_cast %mul3A_352 : i32 to index
      %get3A_356 = tpu.vector_load %arg5[%get3A_354, %get3A_355] {strides = array<i32>} : memref<16x640xf32, #tpu.memory_space<vmem>>, vector<16xf32>,
      %add3A_357 = arith.constant 13 : i32
      %add3A_358 = arith.addi %mul3A_220, %add3A_357 : i32
      %add3A_359 = vector.broadcast %add3A_358 : i32 to vector<16xi32>
      %add3A_360 = arith.addi %add3A_359, %mul3A_4 : vector<16xi32>
      tpu.vector_store_idx %arg7[%add3A_360], %get3A_356 : memref<10240xf32, #tpu.memory_space<vmem>>[vector<16xi32>], vector<16xf32>,
      %mul3A_361 = arith.constant 16 : i32
      %mul3A_362 = arith.muli %scan3A_218, %mul3A_361 : i32
      %get3A_363 = arith.constant 14 : i32
      %get3A_364 = arith.index_cast %get3A_363 : i32 to index
      %get3A_365 = arith.index_cast %mul3A_362 : i32 to index
      %get3A_366 = tpu.vector_load %arg5[%get3A_364, %get3A_365] {strides = array<i32>} : memref<16x640xf32, #tpu.memory_space<vmem>>, vector<16xf32>,
      %add3A_367 = arith.constant 14 : i32
      %add3A_368 = arith.addi %mul3A_220, %add3A_367 : i32
      %add3A_369 = vector.broadcast %add3A_368 : i32 to vector<16xi32>
      %add3A_370 = arith.addi %add3A_369, %mul3A_4 : vector<16xi32>
      tpu.vector_store_idx %arg7[%add3A_370], %get3A_366 : memref<10240xf32, #tpu.memory_space<vmem>>[vector<16xi32>], vector<16xf32>,
      %mul3A_371 = arith.constant 16 : i32
      %mul3A_372 = arith.muli %scan3A_218, %mul3A_371 : i32
      %get3A_373 = arith.constant 15 : i32
      %get3A_374 = arith.index_cast %get3A_373 : i32 to index
      %get3A_375 = arith.index_cast %mul3A_372 : i32 to index
      %get3A_376 = tpu.vector_load %arg5[%get3A_374, %get3A_375] {strides = array<i32>} : memref<16x640xf32, #tpu.memory_space<vmem>>, vector<16xf32>,
      %add3A_377 = arith.constant 15 : i32
      %add3A_378 = arith.addi %mul3A_220, %add3A_377 : i32
      %add3A_379 = vector.broadcast %add3A_378 : i32 to vector<16xi32>
      %add3A_380 = arith.addi %add3A_379, %mul3A_4 : vector<16xi32>
      tpu.vector_store_idx %arg7[%add3A_380], %get3A_376 : memref<10240xf32, #tpu.memory_space<vmem>>[vector<16xi32>], vector<16xf32>,
    }
    %scan3A_34 = arith.constant 40 : i32
    %add3A_35 = arith.constant 630 : i32
    %add3A_36 = arith.addi %mul3A_6, %add3A_35 : i32
    %mul3A_37 = arith.constant 128 : i32
    %mul3A_38 = arith.muli %add3A_36, %mul3A_37 : i32
    %min3A_39 = arith.constant 2599296 : i32
    %min3A_40 = arith.minsi %mul3A_38, %min3A_39 : i32
    %mul3A_41 = arith.constant 16 : i32
    %mul3A_42 = arith.muli %min3A_40, %mul3A_41 : i32
    %dma_start3A_43 = tpu.memref_slice %arg4[%mul3A_42] : memref<41600000xf32, #tpu.memory_space<hbm>> -> memref<10240xf32, #tpu.memory_space<hbm>>
    %dma_start3A_44 = tpu.memref_slice %arg4[%mul3A_42] : memref<41600000xf32, #tpu.memory_space<hbm>> -> memref<10240xf32, #tpu.memory_space<hbm>>
    tpu.enqueue_dma source(%arg7 : memref<10240xf32, #tpu.memory_space<vmem>>) target(%dma_start3A_44 : memref<10240xf32, #tpu.memory_space<hbm>>) target_semaphore(%arg12 : memref<!tpu.dma_semaphore, #tpu.memory_space<semaphore_mem>>)
    %dma_wait3A_45 = arith.constant 0 : i32
    %dma_wait3A_46 = tpu.memref_slice %arg4[%dma_wait3A_45] : memref<41600000xf32, #tpu.memory_space<hbm>> -> memref<10240xf32, #tpu.memory_space<hbm>>
    %dma_wait3A_47 = arith.constant 0 : i32
    %dma_wait3A_48 = tpu.memref_slice %arg4[%dma_wait3A_47] : memref<41600000xf32, #tpu.memory_space<hbm>> -> memref<10240xf32, #tpu.memory_space<hbm>>
    tpu.wait_dma2 semaphore(%arg12 : memref<!tpu.dma_semaphore, #tpu.memory_space<semaphore_mem>>) src(%arg7 : memref<10240xf32, #tpu.memory_space<vmem>>) dst(%dma_wait3A_48 : memref<10240xf32, #tpu.memory_space<hbm>>)
    %dma_wait3A_49 = arith.constant 0 : i32
    %dma_wait3A_50 = tpu.memref_slice %arg4[%dma_wait3A_49] : memref<41600000xf32, #tpu.memory_space<hbm>> -> memref<10240xf32, #tpu.memory_space<hbm>>
    %dma_wait3A_51 = arith.constant 0 : i32
    %dma_wait3A_52 = tpu.memref_slice %arg4[%dma_wait3A_51] : memref<41600000xf32, #tpu.memory_space<hbm>> -> memref<10240xf32, #tpu.memory_space<hbm>>
    tpu.wait_dma2 semaphore(%arg13 : memref<!tpu.dma_semaphore, #tpu.memory_space<semaphore_mem>>) src(%arg8 : memref<10240xf32, #tpu.memory_space<vmem>>) dst(%dma_wait3A_52 : memref<10240xf32, #tpu.memory_space<hbm>>)
    %eq3A = arith.constant 31 : i32
    %eq3A_53 = arith.cmpi eq, %add3A, %eq3A : i32
    %convert_element_type3A = arith.extui %eq3A_53 : i1 to i32
    %cond3A = arith.constant 0 : i32
    %cond3A_54 = arith.cmpi ne, %convert_element_type3A, %cond3A : i32
    scf.if %cond3A_54 {
      "tpu.region"() ({
        %run_scoped3A = tpu.sem_alloc : memref<!tpu.dma_semaphore, #tpu.memory_space<semaphore_mem>>
        tpu.enqueue_dma source(%arg3 : memref<16x64xf32, #tpu.memory_space<hbm>>) target(%arg9 : memref<16x64xf32, #tpu.memory_space<vmem>>) target_semaphore(%run_scoped3A : memref<!tpu.dma_semaphore, #tpu.memory_space<semaphore_mem>>)
        tpu.wait_dma2 semaphore(%run_scoped3A : memref<!tpu.dma_semaphore, #tpu.memory_space<semaphore_mem>>) src(%arg3 : memref<16x64xf32, #tpu.memory_space<hbm>>) dst(%arg9 : memref<16x64xf32, #tpu.memory_space<vmem>>)
        tpu.yield
      }) : () -> ()
      %scan3A_55 = arith.constant 0 : i32
      %scan3A_56 = arith.constant 0 : i32
      %scan3A_57 = arith.constant 64 : i32
      %scan3A_58 = arith.addi %scan3A_56, %scan3A_57 : i32
      %scan3A_59 = arith.constant 8 : i32
      scf.for %scan3A_77 = %scan3A_56 to %scan3A_58 step %scan3A_59  : i32 {
        %broadcast_in_dim3A = vector.broadcast %scan3A_77 : i32 to vector<16xi32>
        %gather3A = tpu.vector_load_idx %arg9[%iota3A, %broadcast_in_dim3A] : memref<16x64xf32, #tpu.memory_space<vmem>>[vector<16xi32>, vector<16xi32>], vector<16xf32>,
        %mul3A_78 = arith.constant 16 : i32
        %mul3A_79 = arith.muli %scan3A_77, %mul3A_78 : i32
        %swap3A = arith.index_cast %mul3A_79 : i32 to index
        %swap3A_80 = tpu.vector_load %arg7[%swap3A] {strides = array<i32>} : memref<10240xf32, #tpu.memory_space<vmem>>, vector<16xf32>,
        tpu.vector_store %arg7[%swap3A], %gather3A {strides = array<i32>} : memref<10240xf32, #tpu.memory_space<vmem>>, vector<16xf32>,
        %scan3A_81 = arith.constant 1 : i32
        %scan3A_82 = arith.addi %scan3A_77, %scan3A_81 : i32
        %broadcast_in_dim3A_83 = vector.broadcast %scan3A_82 : i32 to vector<16xi32>
        %gather3A_84 = tpu.vector_load_idx %arg9[%iota3A, %broadcast_in_dim3A_83] : memref<16x64xf32, #tpu.memory_space<vmem>>[vector<16xi32>, vector<16xi32>], vector<16xf32>,
        %mul3A_85 = arith.constant 16 : i32
        %mul3A_86 = arith.muli %scan3A_82, %mul3A_85 : i32
        %swap3A_87 = arith.index_cast %mul3A_86 : i32 to index
        %swap3A_88 = tpu.vector_load %arg7[%swap3A_87] {strides = array<i32>} : memref<10240xf32, #tpu.memory_space<vmem>>, vector<16xf32>,
        tpu.vector_store %arg7[%swap3A_87], %gather3A_84 {strides = array<i32>} : memref<10240xf32, #tpu.memory_space<vmem>>, vector<16xf32>,
        %scan3A_89 = arith.constant 2 : i32
        %scan3A_90 = arith.addi %scan3A_77, %scan3A_89 : i32
        %broadcast_in_dim3A_91 = vector.broadcast %scan3A_90 : i32 to vector<16xi32>
        %gather3A_92 = tpu.vector_load_idx %arg9[%iota3A, %broadcast_in_dim3A_91] : memref<16x64xf32, #tpu.memory_space<vmem>>[vector<16xi32>, vector<16xi32>], vector<16xf32>,
        %mul3A_93 = arith.constant 16 : i32
        %mul3A_94 = arith.muli %scan3A_90, %mul3A_93 : i32
        %swap3A_95 = arith.index_cast %mul3A_94 : i32 to index
        %swap3A_96 = tpu.vector_load %arg7[%swap3A_95] {strides = array<i32>} : memref<10240xf32, #tpu.memory_space<vmem>>, vector<16xf32>,
        tpu.vector_store %arg7[%swap3A_95], %gather3A_92 {strides = array<i32>} : memref<10240xf32, #tpu.memory_space<vmem>>, vector<16xf32>,
        %scan3A_97 = arith.constant 3 : i32
        %scan3A_98 = arith.addi %scan3A_77, %scan3A_97 : i32
        %broadcast_in_dim3A_99 = vector.broadcast %scan3A_98 : i32 to vector<16xi32>
        %gather3A_100 = tpu.vector_load_idx %arg9[%iota3A, %broadcast_in_dim3A_99] : memref<16x64xf32, #tpu.memory_space<vmem>>[vector<16xi32>, vector<16xi32>], vector<16xf32>,
        %mul3A_101 = arith.constant 16 : i32
        %mul3A_102 = arith.muli %scan3A_98, %mul3A_101 : i32
        %swap3A_103 = arith.index_cast %mul3A_102 : i32 to index
        %swap3A_104 = tpu.vector_load %arg7[%swap3A_103] {strides = array<i32>} : memref<10240xf32, #tpu.memory_space<vmem>>, vector<16xf32>,
        tpu.vector_store %arg7[%swap3A_103], %gather3A_100 {strides = array<i32>} : memref<10240xf32, #tpu.memory_space<vmem>>, vector<16xf32>,
        %scan3A_105 = arith.constant 4 : i32
        %scan3A_106 = arith.addi %scan3A_77, %scan3A_105 : i32
        %broadcast_in_dim3A_107 = vector.broadcast %scan3A_106 : i32 to vector<16xi32>
        %gather3A_108 = tpu.vector_load_idx %arg9[%iota3A, %broadcast_in_dim3A_107] : memref<16x64xf32, #tpu.memory_space<vmem>>[vector<16xi32>, vector<16xi32>], vector<16xf32>,
        %mul3A_109 = arith.constant 16 : i32
        %mul3A_110 = arith.muli %scan3A_106, %mul3A_109 : i32
        %swap3A_111 = arith.index_cast %mul3A_110 : i32 to index
        %swap3A_112 = tpu.vector_load %arg7[%swap3A_111] {strides = array<i32>} : memref<10240xf32, #tpu.memory_space<vmem>>, vector<16xf32>,
        tpu.vector_store %arg7[%swap3A_111], %gather3A_108 {strides = array<i32>} : memref<10240xf32, #tpu.memory_space<vmem>>, vector<16xf32>,
        %scan3A_113 = arith.constant 5 : i32
        %scan3A_114 = arith.addi %scan3A_77, %scan3A_113 : i32
        %broadcast_in_dim3A_115 = vector.broadcast %scan3A_114 : i32 to vector<16xi32>
        %gather3A_116 = tpu.vector_load_idx %arg9[%iota3A, %broadcast_in_dim3A_115] : memref<16x64xf32, #tpu.memory_space<vmem>>[vector<16xi32>, vector<16xi32>], vector<16xf32>,
        %mul3A_117 = arith.constant 16 : i32
        %mul3A_118 = arith.muli %scan3A_114, %mul3A_117 : i32
        %swap3A_119 = arith.index_cast %mul3A_118 : i32 to index
        %swap3A_120 = tpu.vector_load %arg7[%swap3A_119] {strides = array<i32>} : memref<10240xf32, #tpu.memory_space<vmem>>, vector<16xf32>,
        tpu.vector_store %arg7[%swap3A_119], %gather3A_116 {strides = array<i32>} : memref<10240xf32, #tpu.memory_space<vmem>>, vector<16xf32>,
        %scan3A_121 = arith.constant 6 : i32
        %scan3A_122 = arith.addi %scan3A_77, %scan3A_121 : i32
        %broadcast_in_dim3A_123 = vector.broadcast %scan3A_122 : i32 to vector<16xi32>
        %gather3A_124 = tpu.vector_load_idx %arg9[%iota3A, %broadcast_in_dim3A_123] : memref<16x64xf32, #tpu.memory_space<vmem>>[vector<16xi32>, vector<16xi32>], vector<16xf32>,
        %mul3A_125 = arith.constant 16 : i32
        %mul3A_126 = arith.muli %scan3A_122, %mul3A_125 : i32
        %swap3A_127 = arith.index_cast %mul3A_126 : i32 to index
        %swap3A_128 = tpu.vector_load %arg7[%swap3A_127] {strides = array<i32>} : memref<10240xf32, #tpu.memory_space<vmem>>, vector<16xf32>,
        tpu.vector_store %arg7[%swap3A_127], %gather3A_124 {strides = array<i32>} : memref<10240xf32, #tpu.memory_space<vmem>>, vector<16xf32>,
        %scan3A_129 = arith.constant 7 : i32
        %scan3A_130 = arith.addi %scan3A_77, %scan3A_129 : i32
        %broadcast_in_dim3A_131 = vector.broadcast %scan3A_130 : i32 to vector<16xi32>
        %gather3A_132 = tpu.vector_load_idx %arg9[%iota3A, %broadcast_in_dim3A_131] : memref<16x64xf32, #tpu.memory_space<vmem>>[vector<16xi32>, vector<16xi32>], vector<16xf32>,
        %mul3A_133 = arith.constant 16 : i32
        %mul3A_134 = arith.muli %scan3A_130, %mul3A_133 : i32
        %swap3A_135 = arith.index_cast %mul3A_134 : i32 to index
        %swap3A_136 = tpu.vector_load %arg7[%swap3A_135] {strides = array<i32>} : memref<10240xf32, #tpu.memory_space<vmem>>, vector<16xf32>,
        tpu.vector_store %arg7[%swap3A_135], %gather3A_132 {strides = array<i32>} : memref<10240xf32, #tpu.memory_space<vmem>>, vector<16xf32>,
      }
      %scan3A_60 = arith.constant 64 : i32
      %dma_start3A_61 = arith.constant 0 : i32
      %dma_start3A_62 = tpu.memref_slice %arg7[%dma_start3A_61] : memref<10240xf32, #tpu.memory_space<vmem>> -> memref<1024xf32, #tpu.memory_space<vmem>>
      %dma_start3A_63 = arith.constant 41598976 : i32
      %dma_start3A_64 = tpu.memref_slice %arg4[%dma_start3A_63] : memref<41600000xf32, #tpu.memory_space<hbm>> -> memref<1024xf32, #tpu.memory_space<hbm>>
      %dma_start3A_65 = arith.constant 41598976 : i32
      %dma_start3A_66 = tpu.memref_slice %arg4[%dma_start3A_65] : memref<41600000xf32, #tpu.memory_space<hbm>> -> memref<1024xf32, #tpu.memory_space<hbm>>
      %dma_start3A_67 = arith.constant 0 : i32
      %dma_start3A_68 = tpu.memref_slice %arg7[%dma_start3A_67] : memref<10240xf32, #tpu.memory_space<vmem>> -> memref<1024xf32, #tpu.memory_space<vmem>>
      tpu.enqueue_dma source(%dma_start3A_68 : memref<1024xf32, #tpu.memory_space<vmem>>) target(%dma_start3A_66 : memref<1024xf32, #tpu.memory_space<hbm>>) target_semaphore(%arg12 : memref<!tpu.dma_semaphore, #tpu.memory_space<semaphore_mem>>)
      %dma_wait3A_69 = arith.constant 0 : i32
      %dma_wait3A_70 = tpu.memref_slice %arg7[%dma_wait3A_69] : memref<10240xf32, #tpu.memory_space<vmem>> -> memref<1024xf32, #tpu.memory_space<vmem>>
      %dma_wait3A_71 = arith.constant 41598976 : i32
      %dma_wait3A_72 = tpu.memref_slice %arg4[%dma_wait3A_71] : memref<41600000xf32, #tpu.memory_space<hbm>> -> memref<1024xf32, #tpu.memory_space<hbm>>
      %dma_wait3A_73 = arith.constant 41598976 : i32
      %dma_wait3A_74 = tpu.memref_slice %arg4[%dma_wait3A_73] : memref<41600000xf32, #tpu.memory_space<hbm>> -> memref<1024xf32, #tpu.memory_space<hbm>>
      %dma_wait3A_75 = arith.constant 0 : i32
      %dma_wait3A_76 = tpu.memref_slice %arg7[%dma_wait3A_75] : memref<10240xf32, #tpu.memory_space<vmem>> -> memref<1024xf32, #tpu.memory_space<vmem>>
      tpu.wait_dma2 semaphore(%arg12 : memref<!tpu.dma_semaphore, #tpu.memory_space<semaphore_mem>>) src(%dma_wait3A_76 : memref<1024xf32, #tpu.memory_space<vmem>>) dst(%dma_wait3A_74 : memref<1024xf32, #tpu.memory_space<hbm>>)
    } else {
    }
    return
  }
}

</mosaic_0001>

<sc_bundles>
// kernel: _k1_transpose.3.cloned.1.call-start
scs
__scs_entry_jumppad:
0x0: {  	(pc) =	sbr.rel $0x88, $3  }
0x1: {  	(tag) =	ssettag $0x0;
	lr =	simm.s32 $0x1  }
0x2: {  	[smem:$0x3F9F] =	sst lr;
	_ =	strace $0xD0000000  }
0x3: {  	_ = 	snop  }
0x4: {  	_ = 	snop  }
0x5: {  	_ = 	snop  }
0x6: {  	_ = 	snop  }
0x7: {  	_ = 	snop  }
__scs_overlays_trampoline_lowered:
0x8: {  	[smem:$0x3FAE] =	sst s0  }
0x9: {  	[smem:$0x3FAF] =	sst s1  }
0xa: {  	[smem:$0x3FB0] =	sst s2  }
0xb: {  	[smem:$0x3FB1] =	sst s3  }
0xc: {  	[smem:$0x3FB2] =	sst s4  }
0xd: {  	[smem:$0x3FB3] =	sst s5  }
0xe: {  	[smem:$0x3FB4] =	sst s6  }
0xf: {  	[smem:$0x3FB5] =	sst s7  }
0x10: {  	[smem:$0x3FB6] =	sst s8  }
0x11: {  	[smem:$0x3FB7] =	sst s9;
	s0 =	simm.s32 @!p0 $0x0  }
0x12: {  	s1 =	sld [smem:$0x3F9D];
	s0 =	simm.s32 @p0 $0x1  }
0x13: {  	[smem:$0x3FB8] =	sst s0;
	s0 =	simm.s32 @!p1 $0x0  }
0x14: {  	s2 =	sld [smem:$0x3F9C];
	s0 =	simm.s32 @p1 $0x1  }
0x15: {  	[smem:$0x3FB9] =	sst s0;
	s0 =	simm.s32 @!p2 $0x0  }
0x16: {  	s3 =	sld [smem:$0x3FDB];
	s0 =	simm.s32 @p2 $0x1  }
0x17: {  	s4 =	simm.s32 $0x1BF5;
	[smem:$0x3FBB] =	sst s0  }
0x18: {  	s0 =	sld [smem:$0x3F9E];
	_ =	swait.ge [sflag:s4], $0x0  }
0x19: {  	s7 =	sld [smem:$0x3F9F]  }
0x1a: {  	s8 =	sadd.s32 $0xFFFFE003, lr  }
0x1b: {  	s9 =	sadd.s32 $0xFFFFFEF7, lr;
	s5 =	simm.s32 $0xFFFFFFFF;
	p2 =	slt.u32 s8, $0xFFFFF086  }
0x1c: {  	p1 =	slt.u32 s9, $0xF7A;
	s5 =	simm.s32 @!p2 $0x0  }
0x1d: {  	s5 =	simm.s32 @p1 $0x1;
	p0 =	seq.s32 s7, s2  }
0x1e: {  	s7 =	smul.u32 @!p0 $0xF7A, s2;
	p2 =	seq.s32 @!p0 s5, $0x0  }
0x1f: {  	s9 =	smul.u32 $0xF7A, s1;
	s8 =	simm.s32 @!p0 $0x1BF5;
	p2 =	por !p2, p0  }
0x20: {  	[sflag:s8] =	ssyncset.s32 @!p0 $0xFFFFF086;
	s6 =	sadd.s32 @!p0 s3, s7;
	s7 =	simm.s32 @!p0 $0x108  }
0x21: {  	s3 =	sadd.s32 s3, s9;
	s6 =	sadd.s32 @!p0 $0x88, s6;
	s7 =	simm.s32 @p2 $0x1082  }
0x22: {  	[simem:s7], [sflag:s8] =	dma.local @!p0 [hbm:s6], $0xF7A  }
0x23: {  	s9 =	sor.u32 $0xD0000000, s2;
	s6 =	simm.s32 $0x108;
	_ =	swait.ge @!p0 [sflag:s8], $0x0  }
0x24: {  	s3 =	sadd.s32 $0x88, s3;
	s6 =	simm.s32 @!p1 $0x1082;
	[sflag:s4] =	ssyncset.s32 $0xFFFFF086  }
0x25: {  	[simem:s6], [sflag:s4] =	dma.local [hbm:s3], $0xF7A  }
0x26: {  	[smem:$0x3F9F] =	sst s1;
	(tag) =	ssettag s2;
	_ =	strace s9  }
0x27: {  	s1 =	sld [smem:$0x3FAF]  }
0x28: {  	s2 =	sld [smem:$0x3FB0]  }
0x29: {  	s4 =	sld [smem:$0x3FB2]  }
0x2a: {  	p0 =	seq.s32 s5, $0x0;
	s5 =	sld [smem:$0x3FB3]  }
0x2b: {  	s6 =	sld [smem:$0x3FB4]  }
0x2c: {  	s7 =	sld [smem:$0x3FB5]  }
0x2d: {  	s3 =	simm.s32 $0x108;
	s8 =	sld [smem:$0x3FB6]  }
0x2e: {  	s3 =	simm.s32 @!p0 $0x1082;
	s9 =	sld [smem:$0x3FB7]  }
0x2f: {  	lr =	sadd.s32 s0, s3;
	s0 =	sld [smem:$0x3FAE]  }
0x30: {  	s3 =	sld [smem:$0x3FB1]  }
0x31: {  	[smem:$0x3FBA] =	sst s10  }
0x32: {  	s10 =	sld [smem:$0x3FB8];
	_ =	sdelay $0x3  }
0x33: {  	p0 =	seq.s32 s10, $0x1;
	s10 =	sld [smem:$0x3FBA];
	_ =	sdelay $0x3  }
0x34: {  	[smem:$0x3FBA] =	sst s10  }
0x35: {  	s10 =	sld [smem:$0x3FB9];
	_ =	sdelay $0x3  }
0x36: {  	p1 =	seq.s32 s10, $0x1;
	s10 =	sld [smem:$0x3FBA];
	_ =	sdelay $0x3  }
0x37: {  	[smem:$0x3FBA] =	sst s10  }
0x38: {  	s10 =	sld [smem:$0x3FBB]  }
0x39: {  	_ = 	snop;
	(pc) =	sbr.ind lr, $3  }
0x3a: {  	_ = 	snop  }
0x3b: {  	_ = 	snop  }
0x3c: {  	p2 =	seq.s32 s10, $0x1;
	s10 =	sld [smem:$0x3FBA]  }
0x3d: {  	_ =	shalt  }
0x3e: {  	_ =	shalt  }
0x3f: {  	_ =	shalt  }
0x40: {  	_ =	shalt  }
0x41: {  	_ =	shalt  }
0x42: {  	_ =	shalt  }
0x43: {  	_ =	shalt  }
0x44: {  	_ =	shalt  }
0x45: {  	_ =	shalt  }
0x46: {  	_ =	shalt  }
0x47: {  	_ =	shalt  }
0x48: {  	_ =	shalt  }
0x49: {  	_ =	shalt  }
0x4a: {  	_ =	shalt  }
0x4b: {  	_ =	shalt  }
0x4c: {  	_ =	shalt  }
0x4d: {  	_ =	shalt  }
0x4e: {  	_ =	shalt  }
0x4f: {  	_ =	shalt  }
0x50: {  	_ =	shalt  }
0x51: {  	_ =	shalt  }
0x52: {  	_ =	shalt  }
0x53: {  	_ =	shalt  }
0x54: {  	_ =	shalt  }
0x55: {  	_ =	shalt  }
0x56: {  	_ =	shalt  }
0x57: {  	_ =	shalt  }
0x58: {  	_ =	shalt  }
0x59: {  	_ =	shalt  }
0x5a: {  	_ =	shalt  }
0x5b: {  	_ =	shalt  }
0x5c: {  	_ =	shalt  }
0x5d: {  	_ =	shalt  }
0x5e: {  	_ =	shalt  }
0x5f: {  	_ =	shalt  }
0x60: {  	_ =	shalt  }
0x61: {  	_ =	shalt  }
0x62: {  	_ =	shalt  }
0x63: {  	_ =	shalt  }
0x64: {  	_ =	shalt  }
0x65: {  	_ =	shalt  }
0x66: {  	_ =	shalt  }
0x67: {  	_ =	shalt  }
0x68: {  	_ =	shalt  }
0x69: {  	_ =	shalt  }
0x6a: {  	_ =	shalt  }
0x6b: {  	_ =	shalt  }
0x6c: {  	_ =	shalt  }
0x6d: {  	_ =	shalt  }
0x6e: {  	_ =	shalt  }
0x6f: {  	_ =	shalt  }
0x70: {  	_ =	shalt  }
0x71: {  	_ =	shalt  }
0x72: {  	_ =	shalt  }
0x73: {  	_ =	shalt  }
0x74: {  	_ =	shalt  }
0x75: {  	_ =	shalt  }
0x76: {  	_ =	shalt  }
0x77: {  	_ =	shalt  }
0x78: {  	_ =	shalt  }
0x79: {  	_ =	shalt  }
0x7a: {  	_ =	shalt  }
0x7b: {  	_ =	shalt  }
0x7c: {  	_ =	shalt  }
0x7d: {  	_ =	shalt  }
0x7e: {  	_ =	shalt  }
0x7f: {  	_ =	shalt  }
0x80: {  	_ =	shalt  }
0x81: {  	_ =	shalt  }
0x82: {  	_ =	shalt  }
0x83: {  	_ =	shalt  }
0x84: {  	_ =	shalt  }
0x85: {  	_ =	shalt  }
0x86: {  	_ =	shalt  }
0x87: {  	_ =	shalt  }
.Lfunc_end0:
.L_simem_size_0:
called_computation_lowered:
.L_overlay_start_0:
0x88: {  	s2 =	sld [smem:$0x3FD9]  }
0x89: {  	s3 =	sld [smem:$0x3FFE];
	_ =	sdelay $0x1  }
0x8a: {  	s1 =	srdreg.scid  }
0x8b: {  	s0 =	sand.u32 $0x1, s1  }
0x8c: {  	s18 =	sshll.u32 s0, $0xA;
	s2 =	sadd.s32 s3, s2  }
0x8d: {  	s2 =	sadd.s32 s2, s18  }
0x8e: {  	[smem:$0x3FC6] =	sst s2  }
0x8f: {  	_ = 	snop  }
0x90: {  	s2 =	sld [smem:$0x3FC9]  }
0x91: {  	s19 =	sld [smem:$0x3FC8]  }
0x92: {  	s4 =	sld [smem:$0x3FD0];
	(tm) =	ssettm $0x1  }
0x93: {  	s5 =	sld [smem:$0x3FFB];
	_ =	sdelay $0x3  }
0x94: {  	_ =	strace s5  }
0x95: {  	s5 =	sld [smem:$0x3FFC];
	_ =	sdelay $0x3  }
0x96: {  	_ =	strace s5  }
0x97: {  	s5 =	sld [smem:$0x3FFD];
	_ =	sdelay $0x3  }
0x98: {  	_ =	strace s5  }
0x99: {  	_ =	strace $0x8FFFFFFF  }
0x9a: {  	s20 =	sld [smem:$0x3FDB];
	_ =	sdelay $0x1  }
0x9b: {  	s6 =	simm.s32 $_scs_section_size  }
0x9c: {  	s7 =	simm.s32 $_size__tile_overlayer_lowered;
	s8 =	simm.s32 $_tile_overlayer_lowered  }
0x9d: {  	s23 =	simm.s32 $0x1BFF;
	s22 =	sshll.u32 s8, $0x1;
	s5 =	sadd.s32 s6, s20  }
0x9e: {  	s9 =	simm.s32 $0x0;
	s21 =	sshll.u32 s7, $0x1;
	s7 =	sadd.s32 s22, s5  }
0x9f: {  	[timem:s9], [sflag:s23] =	dma.local [hbm:s7], s21  }
0xa0: {  	_ =	swait.ge [sflag:s23], s21  }
0xa1: {  	s6 =	ssub.s32 $0x0, s21;
	[sflag:s23] =	ssyncset.done $0x0  }
0xa2: {  	[sflag:s23] =	ssyncadd.s32 s6;
	_ =	sdelay $0x1  }
0xa3: {  	s24 =	simm.s32 $0x1B8B  }
0xa4: {  	_ =	swait.ge [sflag:s24], $0x1  }
0xa5: {  	[sflag:s24] =	ssyncset.done $0x0  }
0xa6: {  	s25 =	simm.s32 $0x1B8E;
	[sflag:s24] =	ssyncadd.s32 $0xFFFFFFFF  }
0xa7: {  	s26 =	simm.s32 $execute0_lowered;
	[smem:$0x3FD2] =	sst s25  }
0xa8: {  	s6 =	sshll.u32 s26, $0x1;
	_ =	strace $0x80000046;
	[dreg:$0x1] =	wrdreg $0xFFFFFFFF  }
0xa9: {  	s28 =	simm.s32 $_size_execute0_lowered;
	s5 =	sadd.s32 s5, s6;
	[dreg:$0x0] =	wrdreg $0x0  }
0xaa: {  	s6 =	sshll.u32 s28, $0x1;
	[dreg:$0x2] =	wrdreg s5  }
0xab: {  	[dreg:$0x3] =	wrdreg s6  }
0xac: {  	[dreg:$0x4] =	wrdreg $0xC0  }
0xad: {  	_ =	task [dreg:s9], $0x5FFFF  }
0xae: {  	[dreg:$0x1] =	wrdreg $0xFFFFFFFF  }
0xaf: {  	[dreg:$0x0] =	wrdreg $0x60  }
0xb0: {  	[dreg:$0x2] =	wrdreg s2  }
0xb1: {  	[dreg:$0x3] =	wrdreg s19  }
0xb2: {  	[dreg:$0x4] =	wrdreg s4  }
0xb3: {  	[dreg:$0x5] =	wrdreg $0x9  }
0xb4: {  	_ =	task.clear_ibuf [dreg:s9], $0x6FFFF;
	_ =	strace $0x90000046  }
0xb5: {  	s29 =	simm.s32 $0x9;
	_ =	strace $0x80000048  }
0xb6: {  	_ =	swait.ge [sflag:s29], $0x1  }
0xb7: {  	[sflag:s29] =	ssyncadd.s32 $0xFFFFFFFF  }
0xb8: {  	_ =	strace $0x90000048  }
0xb9: {  	_ =	sfence  }
0xba: {  	s30 =	sld [smem:$0x0];
	_ =	sdelay $0x2  }
0xbb: {  	s31 =	sshll.u32 s1, $0xD;
	s1 =	sshrl.u32 s1, $0x2  }
0xbc: {  	s3 =	sand.u32 $0x4000, s31;
	s1 =	sadd.s32 s1, s30  }
0xbd: {  	s0 =	sor.u32 s3, s0;
	s1 =	sshll.u32 s1, $0x11  }
0xbe: {  	s0 =	sor.u32 s1, s0  }
0xbf: {  	s0 =	sadd.s32 $0x8F2B, s0  }
0xc0: {  	[sflag:s0] =	ssyncadd.remote.s32 $0x1  }
0xc1: {  	_ =	sfence.sel $0xFFFF  }
0xc2: {  	[dreg:$0x0] =	wrdreg $0xFFFFFFFF;
	(pc) =	sbr.abs _section_cstart, $3  }
0xc3: {  	[dreg:$0x1] =	wrdreg $0xFFFFFFFF  }
0xc4: {  	_ =	task.clear_ibuf [dreg:s9], $0x2FFFF;
	_ =	strace $0x9FFFFFFF  }
0xc5: {  	(tm) =	ssettm $0x7FFFFFFF  }
tec
execute0_lowered:
.L_overlay_start_1:
0x0: {  	(tag) =	ssettag $0x1  }
0x1: {  	s6 =	rddreg [dreg:$0x0]  }
0x2: {  	s0 =	srdreg.scid;
	s1 =	stileid.u32  }
0x3: {  	s7 =	rddreg [dreg:$0x2];
	s5 =	simm.s32 $0x0;
	s13 =	simm.s32 $0x1400  }
0x4: {  	s14 =	simm.s32 $0x13D6400;
	s15 =	simm.s32 $0x1;
	s17 =	simm.s32 $0x5000  }
0x5: {  	s18 =	simm.s32 $0x2;
	s0 =	sand.u32 $0x1, s0;
	s1 =	sshll.u32 s1, $0x1  }
0x6: {  	s19 =	simm.s32 $0x7800;
	s22 =	simm.s32 $0xA000;
	s1 =	sor.u32 s0, s1  }
0x7: {  	[smem:$0x7FF] =	sst s5;
	s0 =	ssub.s32 $0x2, s0;
	s2 =	smul.u32 $0x13D80, s1  }
0x8: {  	s31 =	sadd.s32 $0x4F5800, s7;
	s4 =	sshrl.u32 s0, $0x1;
	s8 =	smul.u32 $0x27B, s1  }
0x9: {  	_ =	strace $0x80000047;
	[dreg:$0x9] =	wrdreg s31;
	s0 =	ssub.s32 s0, s4  }
0xa: {  	s3 =	smin.u32 s2, $0x266E80;
	s2 =	sadd.s32 s6, s2;
	[dreg:$0x4] =	wrdreg s8  }
.Ltmp0:
0xb: {  	s29 =	sadd.s32 $0x5, s8;
	[dreg:$0x5] =	wrdreg s2;
	(pc) =	sbr.rel .LBB2_1-.Ltmp0, $4  }
0xc: {  	s30 =	sadd.s32 $0xA, s8;
	s3 =	sshll.u32 s3, $0x1;
	[dreg:$0x6] =	wrdreg s29  }
0xd: {  	s0 =	smax.u32 s0, $0x1;
	[dreg:$0x7] =	wrdreg s30;
	s28 =	sadd.s32 s3, s7  }
0xe: {  	v1 =	vlaneseq.u32;
	s9 =	smov.u32 s7;
	[dreg:$0xa] =	wrdreg s0;
	s2 =	sadd.s32 $0x27600, s28  }
0xf: {  	v0 =	vmul.u32 $0x10, v1;
	v1 =	vmul.u32 $0x80, v1;
	p0 =	sne.s32 s1, $0x1F;
	s1 =	simm.s32 $0x0;
	[dreg:$0x8] =	wrdreg s2  }
.LBB2_13:
0x10: {  	s1 =	sadd.s32 $0x1, s1;
	s0 =	rddreg [dreg:$0xa]  }
0x11: {  	p1 =	sne.s32 s1, s0  }
.Ltmp1:
0x12: {  	_ = 	snop;
	(pc) =	sbr.rel @!p1 .LBB2_14-.Ltmp1, $1  }
0x13: {  	_ =	sdelay $0x3  }
.LBB2_1:
0x14: {  	[dreg:$0xb] =	wrdreg s1  }
0x15: {  	s0 =	rddreg [dreg:$0x5];
	s25 =	simm.s32 $0x0  }
0x16: {  	[tilespmem:s5], [sflag:$0x1] =	stream.strided.gather [hbm4b:s0+s13], $0x2800, s14, s13, $0x38;
	[tilespmem:$0xA800] =	vst v63  }
.LBB2_2:
0x17: {  	s28 =	smul.u32 $0xA, s25  }
0x18: {  	s0 =	rddreg [dreg:$0x6];
	_ =	swait.ge [sflag:s15], $0x2800  }
0x19: {  	[sflag:s15] =	ssyncset.done $0x0;
	s0 =	sadd.s32 s28, s0  }
0x1a: {  	[sflag:s15] =	ssyncadd.s32 $0xFFFFD800;
	s0 =	sshll.u32 s0, $0x7  }
0x1b: {  	p1 =	seq.s32 s25, $0x0;
	s7 =	rddreg [dreg:$0x0];
	s26 =	smin.u32 s0, $0x27A980  }
0x1c: {  	s1 =	simm.s32 $0x2800;
	s2 =	simm.s32 @!p1 $0x3;
	s0 =	sadd.s32 s7, s26  }
0x1d: {  	[tilespmem:s1], [sflag:$0x2] =	stream.strided.gather [hbm4b:s0+s13], $0x2800, s14, s13, $0x38;
	[tilespmem:$0xA800] =	vst v63  }
0x1e: {  	s0 =	simm.s32 $0x0;
	_ =	swait.ge @!p1 [sflag:s2], $0x2800  }
0x1f: {  	s10 =	sand.u32 $0x60, s0;
	s1 =	sand.u32 $0x1C00, s0;
	[sflag:s2] =	ssyncset.done @!p1 $0x0  }
0x20: {  	s8 =	simm.s32 $0x0;
	s3 =	sor.u32 s10, s1;
	[sflag:s2] =	ssyncadd.s32 @!p1 $0xFFFFD800  }
0x21: {  	v3 =	vor.u32 s8, v0;
	v2 =	vld [tilespmem:s3+$0x0];
	_ =	sdelay $0x4  }
0x22: {  	s11 =	simm.s32 $0x1;
	[tilespmem:v3+s17+$0x0] =	vst.idx.msk $0xffff, v2  }
0x23: {  	v3 =	vor.u32 s11, v0;
	v2 =	vld [tilespmem:s3+$0x80];
	_ =	sdelay $0x4  }
0x24: {  	s12 =	simm.s32 $0x2;
	[tilespmem:v3+s17+$0x0] =	vst.idx.msk $0xffff, v2  }
0x25: {  	v3 =	vor.u32 s12, v0;
	v2 =	vld [tilespmem:s3+$0x100];
	_ =	sdelay $0x4  }
0x26: {  	s16 =	simm.s32 $0x3;
	[tilespmem:v3+s17+$0x0] =	vst.idx.msk $0xffff, v2  }
0x27: {  	v3 =	vor.u32 s16, v0;
	v2 =	vld [tilespmem:s3+$0x180];
	_ =	sdelay $0x4  }
0x28: {  	s20 =	simm.s32 $0x4;
	[tilespmem:v3+s17+$0x0] =	vst.idx.msk $0xffff, v2  }
0x29: {  	v3 =	vor.u32 s20, v0;
	v2 =	vld [tilespmem:s3+$0x200];
	_ =	sdelay $0x4  }
0x2a: {  	s21 =	simm.s32 $0x5;
	[tilespmem:v3+s17+$0x0] =	vst.idx.msk $0xffff, v2  }
0x2b: {  	v3 =	vor.u32 s21, v0;
	v2 =	vld [tilespmem:s3+$0x280]  }
0x2c: {  	s29 =	simm.s32 $0x0  }
0x2d: {  	s23 =	sand.u32 $0x3, s29  }
0x2e: {  	s2 =	sshll.u32 s23, $0x5  }
0x2f: {  	s2 =	sadd.s32 $0x0, s2  }
0x30: {  	s24 =	simm.s32 $0x6;
	s2 =	sor.u32 $0x300, s2;
	[tilespmem:v3+s17+$0x0] =	vst.idx.msk $0xffff, v2  }
0x31: {  	v3 =	vor.u32 s24, v0;
	v2 =	vld [tilespmem:s2+$0x0];
	_ =	sdelay $0x3  }
0x32: {  	s4 =	sor.u32 s0, s0  }
0x33: {  	s6 =	simm.s32 $0x7;
	s2 =	sor.u32 $0x380, s4;
	[tilespmem:v3+s17+$0x0] =	vst.idx.msk $0xffff, v2  }
0x34: {  	v3 =	vor.u32 s6, v0;
	v2 =	vld [tilespmem:s2+$0x0];
	_ =	sdelay $0x3  }
0x35: {  	s2 =	sadd.s32 $0x1400, s1  }
0x36: {  	s4 =	simm.s32 $0x8;
	s7 =	sor.u32 s10, s2;
	[tilespmem:v3+s17+$0x0] =	vst.idx.msk $0xffff, v2  }
0x37: {  	v3 =	vor.u32 s4, v0;
	v2 =	vld [tilespmem:s7+$0x0];
	_ =	sdelay $0x3  }
0x38: {  	s3 =	sadd.s32 $0x1480, s1  }
0x39: {  	s8 =	sor.u32 s10, s3;
	s6 =	simm.s32 $0x9;
	[tilespmem:v3+s17+$0x0] =	vst.idx.msk $0xffff, v2  }
0x3a: {  	v3 =	vor.u32 s6, v0;
	v2 =	vld [tilespmem:s8+$0x0];
	_ =	sdelay $0x3  }
0x3b: {  	s4 =	sadd.s32 $0x1500, s1  }
0x3c: {  	s11 =	sor.u32 s10, s4;
	s7 =	simm.s32 $0xA;
	[tilespmem:v3+s17+$0x0] =	vst.idx.msk $0xffff, v2  }
0x3d: {  	v3 =	vor.u32 s7, v0;
	v2 =	vld [tilespmem:s11+$0x0];
	_ =	sdelay $0x3  }
0x3e: {  	s6 =	sadd.s32 $0x1580, s1  }
0x3f: {  	s12 =	sor.u32 s10, s6;
	s11 =	simm.s32 $0xB;
	[tilespmem:v3+s17+$0x0] =	vst.idx.msk $0xffff, v2  }
0x40: {  	v3 =	vor.u32 s11, v0;
	v2 =	vld [tilespmem:s12+$0x0];
	_ =	sdelay $0x3  }
0x41: {  	s7 =	sadd.s32 $0x1600, s1  }
0x42: {  	s16 =	sor.u32 s10, s7;
	s12 =	simm.s32 $0xC;
	[tilespmem:v3+s17+$0x0] =	vst.idx.msk $0xffff, v2  }
0x43: {  	v3 =	vor.u32 s12, v0;
	v2 =	vld [tilespmem:s16+$0x0];
	_ =	sdelay $0x3  }
0x44: {  	s11 =	sadd.s32 $0x1680, s1  }
0x45: {  	s20 =	sor.u32 s10, s11;
	s16 =	simm.s32 $0xD;
	[tilespmem:v3+s17+$0x0] =	vst.idx.msk $0xffff, v2  }
0x46: {  	v3 =	vor.u32 s16, v0;
	v2 =	vld [tilespmem:s20+$0x0];
	_ =	sdelay $0x3  }
0x47: {  	s16 =	sadd.s32 $0x1700, s1  }
0x48: {  	s21 =	sor.u32 s10, s16;
	s20 =	simm.s32 $0xE;
	[tilespmem:v3+s17+$0x0] =	vst.idx.msk $0xffff, v2  }
0x49: {  	v3 =	vor.u32 s20, v0;
	v2 =	vld [tilespmem:s21+$0x0];
	_ =	sdelay $0x3  }
0x4a: {  	s12 =	sadd.s32 $0x1780, s1  }
0x4b: {  	s23 =	simm.s32 $0xF;
	s10 =	sor.u32 s10, s12;
	[tilespmem:v3+s17+$0x0] =	vst.idx.msk $0xffff, v2  }
0x4c: {  	v3 =	vor.u32 s23, v0;
	v2 =	vld [tilespmem:s10+$0x0];
	_ =	sdelay $0x2  }
0x4d: {  	s20 =	simm.s32 $0x10  }
0x4e: {  	s10 =	sand.u32 $0x70, s20  }
0x4f: {  	s21 =	simm.s32 $0x100;
	s1 =	sor.u32 s10, s1;
	[tilespmem:v3+s17+$0x0] =	vst.idx.msk $0xffff, v2  }
0x50: {  	v3 =	vor.u32 s21, v0;
	v2 =	vld [tilespmem:s1+$0x0];
	_ =	sdelay $0x4  }
0x51: {  	s24 =	simm.s32 $0x101;
	[tilespmem:v3+s17+$0x0] =	vst.idx.msk $0xffff, v2  }
0x52: {  	v3 =	vor.u32 s24, v0;
	v2 =	vld [tilespmem:s1+$0x80];
	_ =	sdelay $0x4  }
0x53: {  	s8 =	simm.s32 $0x102;
	[tilespmem:v3+s17+$0x0] =	vst.idx.msk $0xffff, v2  }
0x54: {  	v3 =	vor.u32 s8, v0;
	v2 =	vld [tilespmem:s1+$0x100];
	_ =	sdelay $0x4  }
0x55: {  	s23 =	simm.s32 $0x103;
	[tilespmem:v3+s17+$0x0] =	vst.idx.msk $0xffff, v2  }
0x56: {  	v3 =	vor.u32 s23, v0;
	v2 =	vld [tilespmem:s1+$0x180];
	_ =	sdelay $0x4  }
0x57: {  	s24 =	simm.s32 $0x104;
	[tilespmem:v3+s17+$0x0] =	vst.idx.msk $0xffff, v2  }
0x58: {  	v3 =	vor.u32 s24, v0;
	v2 =	vld [tilespmem:s1+$0x200];
	_ =	sdelay $0x4  }
0x59: {  	s8 =	simm.s32 $0x105;
	[tilespmem:v3+s17+$0x0] =	vst.idx.msk $0xffff, v2  }
0x5a: {  	v3 =	vor.u32 s8, v0;
	v2 =	vld [tilespmem:s1+$0x280]  }
0x5b: {  	s23 =	sand.u32 $0x7, s29  }
0x5c: {  	s1 =	sshll.u32 s23, $0x4  }
0x5d: {  	s1 =	sadd.s32 $0x0, s1  }
0x5e: {  	s1 =	sadd.s32 $0x10, s1  }
0x5f: {  	s24 =	simm.s32 $0x106;
	s1 =	sor.u32 $0x300, s1;
	[tilespmem:v3+s17+$0x0] =	vst.idx.msk $0xffff, v2  }
0x60: {  	v3 =	vor.u32 s24, v0;
	v2 =	vld [tilespmem:s1+$0x0];
	_ =	sdelay $0x3  }
0x61: {  	s0 =	sor.u32 s20, s0  }
0x62: {  	s0 =	sor.u32 $0x380, s0;
	s8 =	simm.s32 $0x107;
	[tilespmem:v3+s17+$0x0] =	vst.idx.msk $0xffff, v2  }
0x63: {  	v3 =	vor.u32 s8, v0;
	v2 =	vld [tilespmem:s0+$0x0];
	_ =	sdelay $0x4  }
0x64: {  	s20 =	sor.u32 s10, s2;
	s21 =	simm.s32 $0x108;
	[tilespmem:v3+s17+$0x0] =	vst.idx.msk $0xffff, v2  }
0x65: {  	v3 =	vor.u32 s21, v0;
	v2 =	vld [tilespmem:s20+$0x0];
	_ =	sdelay $0x4  }
0x66: {  	s23 =	sor.u32 s10, s3;
	s24 =	simm.s32 $0x109;
	[tilespmem:v3+s17+$0x0] =	vst.idx.msk $0xffff, v2  }
0x67: {  	v3 =	vor.u32 s24, v0;
	v2 =	vld [tilespmem:s23+$0x0];
	_ =	sdelay $0x4  }
0x68: {  	s2 =	simm.s32 $0x10A;
	s1 =	sor.u32 s10, s4;
	[tilespmem:v3+s17+$0x0] =	vst.idx.msk $0xffff, v2  }
0x69: {  	v3 =	vor.u32 s2, v0;
	v2 =	vld [tilespmem:s1+$0x0];
	_ =	sdelay $0x4  }
0x6a: {  	s3 =	sor.u32 s10, s6;
	s4 =	simm.s32 $0x10B;
	[tilespmem:v3+s17+$0x0] =	vst.idx.msk $0xffff, v2  }
0x6b: {  	v3 =	vor.u32 s4, v0;
	v2 =	vld [tilespmem:s3+$0x0];
	_ =	sdelay $0x4  }
0x6c: {  	s6 =	sor.u32 s10, s7;
	s7 =	simm.s32 $0x10C;
	[tilespmem:v3+s17+$0x0] =	vst.idx.msk $0xffff, v2  }
0x6d: {  	v3 =	vor.u32 s7, v0;
	v2 =	vld [tilespmem:s6+$0x0];
	_ =	sdelay $0x4  }
0x6e: {  	s8 =	sor.u32 s10, s11;
	s11 =	simm.s32 $0x10D;
	[tilespmem:v3+s17+$0x0] =	vst.idx.msk $0xffff, v2  }
0x6f: {  	v3 =	vor.u32 s11, v0;
	v2 =	vld [tilespmem:s8+$0x0];
	_ =	sdelay $0x4  }
0x70: {  	s21 =	simm.s32 $0x10E;
	s20 =	sor.u32 s10, s16;
	[tilespmem:v3+s17+$0x0] =	vst.idx.msk $0xffff, v2  }
0x71: {  	v3 =	vor.u32 s21, v0;
	v2 =	vld [tilespmem:s20+$0x0];
	_ =	sdelay $0x4  }
0x72: {  	s24 =	sor.u32 s10, s12;
	s23 =	simm.s32 $0x10F;
	[tilespmem:v3+s17+$0x0] =	vst.idx.msk $0xffff, v2  }
0x73: {  	v3 =	vor.u32 s23, v0;
	v2 =	vld [tilespmem:s24+$0x0]  }
0x74: {  	s30 =	simm.s32 $0x0;
	s31 =	simm.s32 $0x30;
	s0 =	simm.s32 $0x110  }
0x75: {  	s2 =	simm.s32 $0x30F;
	s3 =	simm.s32 $0x0;
	s11 =	simm.s32 $0x0  }
.LBB2_3:
0x76: {  	s23 =	sadd.s32 $0xFFFFFFF0, s0;
	s1 =	sadd.s32 $0xFFFFFFF0, s31;
	s30 =	sadd.s32 $0x2, s30  }
0x77: {  	s6 =	sand.u32 $0x60, s1;
	s7 =	sand.u32 $0x1C00, s23;
	p2 =	slt.u32 s30, $0x26  }
0x78: {  	s4 =	sadd.s32 $0xFFFFFEF1, s2;
	s10 =	sor.u32 s6, s7;
	[tilespmem:v3+s17+$0x0] =	vst.idx.msk $0xffff, v2  }
0x79: {  	v3 =	vor.u32 s4, v0;
	v2 =	vld [tilespmem:s10+$0x0];
	_ =	sdelay $0x4  }
0x7a: {  	s4 =	sadd.s32 $0xFFFFFEF2, s2;
	[tilespmem:v3+s17+$0x0] =	vst.idx.msk $0xffff, v2  }
0x7b: {  	v3 =	vor.u32 s4, v0;
	v2 =	vld [tilespmem:s10+$0x80];
	_ =	sdelay $0x4  }
0x7c: {  	s4 =	sadd.s32 $0xFFFFFEF3, s2;
	[tilespmem:v3+s17+$0x0] =	vst.idx.msk $0xffff, v2  }
0x7d: {  	v3 =	vor.u32 s4, v0;
	v2 =	vld [tilespmem:s10+$0x100];
	_ =	sdelay $0x4  }
0x7e: {  	s4 =	sadd.s32 $0xFFFFFEF4, s2;
	[tilespmem:v3+s17+$0x0] =	vst.idx.msk $0xffff, v2  }
0x7f: {  	v3 =	vor.u32 s4, v0;
	v2 =	vld [tilespmem:s10+$0x180];
	_ =	sdelay $0x4  }
0x80: {  	s4 =	sadd.s32 $0xFFFFFEF5, s2;
	[tilespmem:v3+s17+$0x0] =	vst.idx.msk $0xffff, v2  }
0x81: {  	v3 =	vor.u32 s4, v0;
	v2 =	vld [tilespmem:s10+$0x200];
	_ =	sdelay $0x4  }
0x82: {  	s4 =	sadd.s32 $0xFFFFFEF6, s2;
	[tilespmem:v3+s17+$0x0] =	vst.idx.msk $0xffff, v2  }
0x83: {  	v3 =	vor.u32 s4, v0;
	v2 =	vld [tilespmem:s10+$0x280]  }
0x84: {  	s29 =	sadd.s32 $0x1, s29  }
0x85: {  	s4 =	sand.u32 $0x3, s29  }
0x86: {  	s3 =	sadd.s32 $0x100, s3;
	s4 =	sshll.u32 s4, $0x5  }
0x87: {  	s4 =	sadd.s32 s4, s3  }
0x88: {  	s10 =	sadd.s32 $0xFFFFFEF7, s2;
	s4 =	sor.u32 $0x300, s4;
	[tilespmem:v3+s17+$0x0] =	vst.idx.msk $0xffff, v2  }
0x89: {  	v3 =	vor.u32 s10, v0;
	v2 =	vld [tilespmem:s4+$0x0];
	_ =	sdelay $0x3  }
0x8a: {  	s1 =	sor.u32 s1, s23  }
0x8b: {  	s1 =	sor.u32 $0x380, s1;
	s4 =	sadd.s32 $0xFFFFFEF8, s2;
	[tilespmem:v3+s17+$0x0] =	vst.idx.msk $0xffff, v2  }
0x8c: {  	v3 =	vor.u32 s4, v0;
	v2 =	vld [tilespmem:s1+$0x0];
	_ =	sdelay $0x3  }
0x8d: {  	s10 =	sadd.s32 $0x1400, s7  }
0x8e: {  	s4 =	sadd.s32 $0xFFFFFEF9, s2;
	s1 =	sor.u32 s6, s10;
	[tilespmem:v3+s17+$0x0] =	vst.idx.msk $0xffff, v2  }
0x8f: {  	v3 =	vor.u32 s4, v0;
	v2 =	vld [tilespmem:s1+$0x0];
	_ =	sdelay $0x3  }
0x90: {  	s12 =	sadd.s32 $0x1480, s7  }
0x91: {  	s4 =	sadd.s32 $0xFFFFFEFA, s2;
	s1 =	sor.u32 s6, s12;
	[tilespmem:v3+s17+$0x0] =	vst.idx.msk $0xffff, v2  }
0x92: {  	v3 =	vor.u32 s4, v0;
	v2 =	vld [tilespmem:s1+$0x0];
	_ =	sdelay $0x3  }
0x93: {  	s21 =	sadd.s32 $0x1500, s7  }
0x94: {  	s4 =	sadd.s32 $0xFFFFFEFB, s2;
	s1 =	sor.u32 s6, s21;
	[tilespmem:v3+s17+$0x0] =	vst.idx.msk $0xffff, v2  }
0x95: {  	v3 =	vor.u32 s4, v0;
	v2 =	vld [tilespmem:s1+$0x0];
	_ =	sdelay $0x3  }
0x96: {  	s20 =	sadd.s32 $0x1580, s7  }
0x97: {  	s4 =	sadd.s32 $0xFFFFFEFC, s2;
	s1 =	sor.u32 s6, s20;
	[tilespmem:v3+s17+$0x0] =	vst.idx.msk $0xffff, v2  }
0x98: {  	v3 =	vor.u32 s4, v0;
	v2 =	vld [tilespmem:s1+$0x0];
	_ =	sdelay $0x3  }
0x99: {  	s24 =	sadd.s32 $0x1600, s7  }
0x9a: {  	s4 =	sadd.s32 $0xFFFFFEFD, s2;
	s1 =	sor.u32 s6, s24;
	[tilespmem:v3+s17+$0x0] =	vst.idx.msk $0xffff, v2  }
0x9b: {  	v3 =	vor.u32 s4, v0;
	v2 =	vld [tilespmem:s1+$0x0];
	_ =	sdelay $0x3  }
0x9c: {  	s16 =	sadd.s32 $0x1680, s7  }
0x9d: {  	s4 =	sadd.s32 $0xFFFFFEFE, s2;
	s1 =	sor.u32 s6, s16;
	[tilespmem:v3+s17+$0x0] =	vst.idx.msk $0xffff, v2  }
0x9e: {  	v3 =	vor.u32 s4, v0;
	v2 =	vld [tilespmem:s1+$0x0];
	_ =	sdelay $0x3  }
0x9f: {  	s1 =	sadd.s32 $0x1700, s7  }
0xa0: {  	s8 =	sadd.s32 $0xFFFFFEFF, s2;
	s4 =	sor.u32 s6, s1;
	[tilespmem:v3+s17+$0x0] =	vst.idx.msk $0xffff, v2  }
0xa1: {  	v3 =	vor.u32 s8, v0;
	v2 =	vld [tilespmem:s4+$0x0];
	_ =	sdelay $0x3  }
0xa2: {  	s4 =	sadd.s32 $0x1780, s7  }
0xa3: {  	s8 =	sadd.s32 $0xFFFFFF00, s2;
	s6 =	sor.u32 s6, s4;
	[tilespmem:v3+s17+$0x0] =	vst.idx.msk $0xffff, v2  }
0xa4: {  	v3 =	vor.u32 s8, v0;
	v2 =	vld [tilespmem:s6+$0x0];
	_ =	sdelay $0x3  }
0xa5: {  	s6 =	sand.u32 $0x70, s31  }
0xa6: {  	s8 =	sadd.s32 $0xFFFFFFF1, s2;
	s7 =	sor.u32 s6, s7;
	[tilespmem:v3+s17+$0x0] =	vst.idx.msk $0xffff, v2  }
0xa7: {  	v3 =	vor.u32 s8, v0;
	v2 =	vld [tilespmem:s7+$0x0];
	_ =	sdelay $0x4  }
0xa8: {  	s8 =	sadd.s32 $0xFFFFFFF2, s2;
	[tilespmem:v3+s17+$0x0] =	vst.idx.msk $0xffff, v2  }
0xa9: {  	v3 =	vor.u32 s8, v0;
	v2 =	vld [tilespmem:s7+$0x80];
	_ =	sdelay $0x4  }
0xaa: {  	s8 =	sadd.s32 $0xFFFFFFF3, s2;
	[tilespmem:v3+s17+$0x0] =	vst.idx.msk $0xffff, v2  }
0xab: {  	v3 =	vor.u32 s8, v0;
	v2 =	vld [tilespmem:s7+$0x100];
	_ =	sdelay $0x4  }
0xac: {  	s8 =	sadd.s32 $0xFFFFFFF4, s2;
	[tilespmem:v3+s17+$0x0] =	vst.idx.msk $0xffff, v2  }
0xad: {  	v3 =	vor.u32 s8, v0;
	v2 =	vld [tilespmem:s7+$0x180];
	_ =	sdelay $0x4  }
0xae: {  	s8 =	sadd.s32 $0xFFFFFFF5, s2;
	[tilespmem:v3+s17+$0x0] =	vst.idx.msk $0xffff, v2  }
0xaf: {  	v3 =	vor.u32 s8, v0;
	v2 =	vld [tilespmem:s7+$0x200];
	_ =	sdelay $0x4  }
0xb0: {  	s8 =	sadd.s32 $0xFFFFFFF6, s2;
	[tilespmem:v3+s17+$0x0] =	vst.idx.msk $0xffff, v2  }
0xb1: {  	s11 =	sadd.s32 $0x2, s11;
	v3 =	vor.u32 s8, v0;
	v2 =	vld [tilespmem:s7+$0x280]  }
0xb2: {  	s7 =	sand.u32 $0x7, s11  }
0xb3: {  	s7 =	sshll.u32 s7, $0x4  }
0xb4: {  	s7 =	sadd.s32 s23, s7  }
0xb5: {  	s7 =	sadd.s32 $0x10, s7  }
0xb6: {  	s8 =	sadd.s32 $0xFFFFFFF7, s2;
	s7 =	sor.u32 $0x300, s7;
	[tilespmem:v3+s17+$0x0] =	vst.idx.msk $0xffff, v2  }
0xb7: {  	v3 =	vor.u32 s8, v0;
	v2 =	vld [tilespmem:s7+$0x0];
	_ =	sdelay $0x3  }
0xb8: {  	s7 =	sor.u32 s31, s23  }
0xb9: {  	s8 =	sadd.s32 $0xFFFFFFF8, s2;
	s7 =	sor.u32 $0x380, s7;
	[tilespmem:v3+s17+$0x0] =	vst.idx.msk $0xffff, v2  }
0xba: {  	v3 =	vor.u32 s8, v0;
	v2 =	vld [tilespmem:s7+$0x0];
	_ =	sdelay $0x4  }
0xbb: {  	s8 =	sadd.s32 $0xFFFFFFF9, s2;
	s7 =	sor.u32 s6, s10;
	[tilespmem:v3+s17+$0x0] =	vst.idx.msk $0xffff, v2  }
0xbc: {  	v3 =	vor.u32 s8, v0;
	v2 =	vld [tilespmem:s7+$0x0];
	_ =	sdelay $0x4  }
0xbd: {  	s8 =	sadd.s32 $0xFFFFFFFA, s2;
	s7 =	sor.u32 s6, s12;
	[tilespmem:v3+s17+$0x0] =	vst.idx.msk $0xffff, v2  }
0xbe: {  	v3 =	vor.u32 s8, v0;
	v2 =	vld [tilespmem:s7+$0x0];
	_ =	sdelay $0x4  }
0xbf: {  	s8 =	sadd.s32 $0xFFFFFFFB, s2;
	s7 =	sor.u32 s6, s21;
	[tilespmem:v3+s17+$0x0] =	vst.idx.msk $0xffff, v2  }
0xc0: {  	v3 =	vor.u32 s8, v0;
	v2 =	vld [tilespmem:s7+$0x0];
	_ =	sdelay $0x4  }
0xc1: {  	s8 =	sadd.s32 $0xFFFFFFFC, s2;
	s7 =	sor.u32 s6, s20;
	[tilespmem:v3+s17+$0x0] =	vst.idx.msk $0xffff, v2  }
0xc2: {  	v3 =	vor.u32 s8, v0;
	v2 =	vld [tilespmem:s7+$0x0];
	_ =	sdelay $0x4  }
0xc3: {  	s8 =	sadd.s32 $0xFFFFFFFD, s2;
	s7 =	sor.u32 s6, s24;
	[tilespmem:v3+s17+$0x0] =	vst.idx.msk $0xffff, v2  }
0xc4: {  	v3 =	vor.u32 s8, v0;
	v2 =	vld [tilespmem:s7+$0x0];
	_ =	sdelay $0x4  }
0xc5: {  	s8 =	sadd.s32 $0xFFFFFFFE, s2;
	s7 =	sor.u32 s6, s16;
	[tilespmem:v3+s17+$0x0] =	vst.idx.msk $0xffff, v2  }
0xc6: {  	v3 =	vor.u32 s8, v0;
	v2 =	vld [tilespmem:s7+$0x0];
	_ =	sdelay $0x4  }
0xc7: {  	s1 =	sor.u32 s6, s1;
	s7 =	sadd.s32 $0xFFFFFFFF, s2;
	[tilespmem:v3+s17+$0x0] =	vst.idx.msk $0xffff, v2  }
0xc8: {  	v3 =	vor.u32 s7, v0;
	v2 =	vld [tilespmem:s1+$0x0];
	_ =	sdelay $0x3  }
.Ltmp2:
0xc9: {  	(pc) =	sbr.rel @p2 .LBB2_3-.Ltmp2, $3  }
0xca: {  	s1 =	sor.u32 s6, s4;
	[tilespmem:v3+s17+$0x0] =	vst.idx.msk $0xffff, v2  }
0xcb: {  	v3 =	vor.u32 s2, v0;
	v2 =	vld [tilespmem:s1+$0x0];
	_ =	sdelay $0x1  }
0xcc: {  	s0 =	sadd.s32 $0x100, s0;
	s31 =	sadd.s32 $0x20, s31;
	s2 =	sadd.s32 $0x200, s2  }
0xcd: {  	_ = 	snop  }
0xce: {  	s0 =	rddreg [dreg:$0x4]  }
0xcf: {  	s0 =	sadd.s32 s0, s28  }
0xd0: {  	s0 =	sshll.u32 s0, $0x8  }
0xd1: {  	[tilespmem:v3+s17+$0x0] =	vst.idx.msk $0xffff, v2;
	s0 =	sadd.s32 s9, s0  }
0xd2: {  	[hbm4b:s0+s5] =	stream.linear.scatter [tilespmem:s17], [sflag:$0x3], $0x2800, $0x38;
	[tilespmem:$0xA800] =	vst v63  }
0xd3: {  	s6 =	rddreg [dreg:$0x7];
	_ =	swait.ge [sflag:s18], $0x2800  }
0xd4: {  	s0 =	sadd.s32 s28, s6;
	[sflag:s18] =	ssyncset.done $0x0  }
0xd5: {  	s0 =	sshll.u32 s0, $0x7;
	[sflag:s18] =	ssyncadd.s32 $0xFFFFD800  }
0xd6: {  	s0 =	smin.u32 s0, $0x27A980;
	s1 =	rddreg [dreg:$0x0]  }
0xd7: {  	s0 =	sadd.s32 s1, s0  }
0xd8: {  	[tilespmem:s5], [sflag:$0x1] =	stream.strided.gather [hbm4b:s0+s13], $0x2800, s14, s13, $0x38;
	[tilespmem:$0xA800] =	vst v63  }
0xd9: {  	s2 =	simm.s32 @!p1 $0x4;
	s0 =	simm.s32 $0x0  }
0xda: {  	_ =	swait.ge @!p1 [sflag:s2], $0x2800;
	s10 =	sand.u32 $0x1C00, s0  }
0xdb: {  	s11 =	sand.u32 $0x60, s0;
	[sflag:s2] =	ssyncset.done @!p1 $0x0;
	s1 =	sadd.s32 $0x2800, s10  }
0xdc: {  	s7 =	simm.s32 $0x0;
	[sflag:s2] =	ssyncadd.s32 @!p1 $0xFFFFD800;
	s3 =	sor.u32 s11, s1  }
0xdd: {  	v3 =	vor.u32 s7, v0;
	v2 =	vld [tilespmem:s3+$0x0];
	_ =	sdelay $0x4  }
0xde: {  	s8 =	simm.s32 $0x1;
	[tilespmem:v3+s19+$0x0] =	vst.idx.msk $0xffff, v2  }
0xdf: {  	v3 =	vor.u32 s8, v0;
	v2 =	vld [tilespmem:s3+$0x80];
	_ =	sdelay $0x4  }
0xe0: {  	s12 =	simm.s32 $0x2;
	[tilespmem:v3+s19+$0x0] =	vst.idx.msk $0xffff, v2  }
0xe1: {  	v3 =	vor.u32 s12, v0;
	v2 =	vld [tilespmem:s3+$0x100];
	_ =	sdelay $0x4  }
0xe2: {  	s16 =	simm.s32 $0x3;
	[tilespmem:v3+s19+$0x0] =	vst.idx.msk $0xffff, v2  }
0xe3: {  	v3 =	vor.u32 s16, v0;
	v2 =	vld [tilespmem:s3+$0x180];
	_ =	sdelay $0x4  }
0xe4: {  	s20 =	simm.s32 $0x4;
	[tilespmem:v3+s19+$0x0] =	vst.idx.msk $0xffff, v2  }
0xe5: {  	v3 =	vor.u32 s20, v0;
	v2 =	vld [tilespmem:s3+$0x200];
	_ =	sdelay $0x4  }
0xe6: {  	s21 =	simm.s32 $0x5;
	[tilespmem:v3+s19+$0x0] =	vst.idx.msk $0xffff, v2  }
0xe7: {  	v3 =	vor.u32 s21, v0;
	v2 =	vld [tilespmem:s3+$0x280]  }
0xe8: {  	s28 =	simm.s32 $0x0  }
0xe9: {  	s23 =	sand.u32 $0x3, s28  }
0xea: {  	s2 =	sshll.u32 s23, $0x5  }
0xeb: {  	s2 =	sadd.s32 $0x0, s2  }
0xec: {  	s24 =	simm.s32 $0x6;
	s2 =	sor.u32 $0x300, s2;
	[tilespmem:v3+s19+$0x0] =	vst.idx.msk $0xffff, v2  }
0xed: {  	v3 =	vor.u32 s24, v0;
	v2 =	vld [tilespmem:s2+$0x2800];
	_ =	sdelay $0x3  }
0xee: {  	s3 =	sor.u32 s0, s0  }
0xef: {  	s4 =	simm.s32 $0x7;
	s2 =	sor.u32 $0x380, s3;
	[tilespmem:v3+s19+$0x0] =	vst.idx.msk $0xffff, v2  }
0xf0: {  	v3 =	vor.u32 s4, v0;
	v2 =	vld [tilespmem:s2+$0x2800];
	_ =	sdelay $0x3  }
0xf1: {  	s2 =	sadd.s32 $0x3C00, s10  }
0xf2: {  	s4 =	simm.s32 $0x8;
	s6 =	sor.u32 s11, s2;
	[tilespmem:v3+s19+$0x0] =	vst.idx.msk $0xffff, v2  }
0xf3: {  	v3 =	vor.u32 s4, v0;
	v2 =	vld [tilespmem:s6+$0x0];
	_ =	sdelay $0x3  }
0xf4: {  	s3 =	sadd.s32 $0x3C80, s10  }
0xf5: {  	s7 =	sor.u32 s11, s3;
	s6 =	simm.s32 $0x9;
	[tilespmem:v3+s19+$0x0] =	vst.idx.msk $0xffff, v2  }
0xf6: {  	v3 =	vor.u32 s6, v0;
	v2 =	vld [tilespmem:s7+$0x0];
	_ =	sdelay $0x3  }
0xf7: {  	s4 =	sadd.s32 $0x3D00, s10  }
0xf8: {  	s8 =	sor.u32 s11, s4;
	s7 =	simm.s32 $0xA;
	[tilespmem:v3+s19+$0x0] =	vst.idx.msk $0xffff, v2  }
0xf9: {  	v3 =	vor.u32 s7, v0;
	v2 =	vld [tilespmem:s8+$0x0];
	_ =	sdelay $0x3  }
0xfa: {  	s6 =	sadd.s32 $0x3D80, s10  }
0xfb: {  	s12 =	sor.u32 s11, s6;
	s8 =	simm.s32 $0xB;
	[tilespmem:v3+s19+$0x0] =	vst.idx.msk $0xffff, v2  }
0xfc: {  	v3 =	vor.u32 s8, v0;
	v2 =	vld [tilespmem:s12+$0x0];
	_ =	sdelay $0x3  }
0xfd: {  	s7 =	sadd.s32 $0x3E00, s10  }
0xfe: {  	s16 =	sor.u32 s11, s7;
	s12 =	simm.s32 $0xC;
	[tilespmem:v3+s19+$0x0] =	vst.idx.msk $0xffff, v2  }
0xff: {  	v3 =	vor.u32 s12, v0;
	v2 =	vld [tilespmem:s16+$0x0];
	_ =	sdelay $0x3  }
0x100: {  	s12 =	sadd.s32 $0x3E80, s10  }
0x101: {  	s20 =	sor.u32 s11, s12;
	s16 =	simm.s32 $0xD;
	[tilespmem:v3+s19+$0x0] =	vst.idx.msk $0xffff, v2  }
0x102: {  	v3 =	vor.u32 s16, v0;
	v2 =	vld [tilespmem:s20+$0x0];
	_ =	sdelay $0x3  }
0x103: {  	s16 =	sadd.s32 $0x3F00, s10  }
0x104: {  	s21 =	sor.u32 s11, s16;
	s20 =	simm.s32 $0xE;
	[tilespmem:v3+s19+$0x0] =	vst.idx.msk $0xffff, v2  }
0x105: {  	v3 =	vor.u32 s20, v0;
	v2 =	vld [tilespmem:s21+$0x0];
	_ =	sdelay $0x3  }
0x106: {  	s10 =	sadd.s32 $0x3F80, s10  }
0x107: {  	s24 =	simm.s32 $0xF;
	s23 =	sor.u32 s11, s10;
	[tilespmem:v3+s19+$0x0] =	vst.idx.msk $0xffff, v2  }
0x108: {  	v3 =	vor.u32 s24, v0;
	v2 =	vld [tilespmem:s23+$0x0];
	_ =	sdelay $0x2  }
0x109: {  	s29 =	simm.s32 $0x10  }
0x10a: {  	s11 =	sand.u32 $0x70, s29  }
0x10b: {  	s1 =	sor.u32 s11, s1;
	s20 =	simm.s32 $0x100;
	[tilespmem:v3+s19+$0x0] =	vst.idx.msk $0xffff, v2  }
0x10c: {  	v3 =	vor.u32 s20, v0;
	v2 =	vld [tilespmem:s1+$0x0];
	_ =	sdelay $0x4  }
0x10d: {  	s21 =	simm.s32 $0x101;
	[tilespmem:v3+s19+$0x0] =	vst.idx.msk $0xffff, v2  }
0x10e: {  	v3 =	vor.u32 s21, v0;
	v2 =	vld [tilespmem:s1+$0x80];
	_ =	sdelay $0x4  }
0x10f: {  	s23 =	simm.s32 $0x102;
	[tilespmem:v3+s19+$0x0] =	vst.idx.msk $0xffff, v2  }
0x110: {  	v3 =	vor.u32 s23, v0;
	v2 =	vld [tilespmem:s1+$0x100];
	_ =	sdelay $0x4  }
0x111: {  	s24 =	simm.s32 $0x103;
	[tilespmem:v3+s19+$0x0] =	vst.idx.msk $0xffff, v2  }
0x112: {  	v3 =	vor.u32 s24, v0;
	v2 =	vld [tilespmem:s1+$0x180];
	_ =	sdelay $0x4  }
0x113: {  	s20 =	simm.s32 $0x104;
	[tilespmem:v3+s19+$0x0] =	vst.idx.msk $0xffff, v2  }
0x114: {  	v3 =	vor.u32 s20, v0;
	v2 =	vld [tilespmem:s1+$0x200];
	_ =	sdelay $0x4  }
0x115: {  	s21 =	simm.s32 $0x105;
	[tilespmem:v3+s19+$0x0] =	vst.idx.msk $0xffff, v2  }
0x116: {  	v3 =	vor.u32 s21, v0;
	v2 =	vld [tilespmem:s1+$0x280]  }
0x117: {  	s23 =	sand.u32 $0x7, s28  }
0x118: {  	s1 =	sshll.u32 s23, $0x4  }
0x119: {  	s1 =	sadd.s32 $0x0, s1  }
0x11a: {  	s1 =	sadd.s32 $0x10, s1  }
0x11b: {  	s24 =	simm.s32 $0x106;
	s1 =	sor.u32 $0x300, s1;
	[tilespmem:v3+s19+$0x0] =	vst.idx.msk $0xffff, v2  }
0x11c: {  	v3 =	vor.u32 s24, v0;
	v2 =	vld [tilespmem:s1+$0x2800];
	_ =	sdelay $0x3  }
0x11d: {  	s0 =	sor.u32 s29, s0  }
0x11e: {  	s0 =	sor.u32 $0x380, s0;
	s8 =	simm.s32 $0x107;
	[tilespmem:v3+s19+$0x0] =	vst.idx.msk $0xffff, v2  }
0x11f: {  	v3 =	vor.u32 s8, v0;
	v2 =	vld [tilespmem:s0+$0x2800];
	_ =	sdelay $0x4  }
0x120: {  	s20 =	sor.u32 s11, s2;
	s21 =	simm.s32 $0x108;
	[tilespmem:v3+s19+$0x0] =	vst.idx.msk $0xffff, v2  }
0x121: {  	v3 =	vor.u32 s21, v0;
	v2 =	vld [tilespmem:s20+$0x0];
	_ =	sdelay $0x4  }
0x122: {  	s23 =	sor.u32 s11, s3;
	s24 =	simm.s32 $0x109;
	[tilespmem:v3+s19+$0x0] =	vst.idx.msk $0xffff, v2  }
0x123: {  	v3 =	vor.u32 s24, v0;
	v2 =	vld [tilespmem:s23+$0x0];
	_ =	sdelay $0x4  }
0x124: {  	s2 =	sor.u32 s11, s4;
	s3 =	simm.s32 $0x10A;
	[tilespmem:v3+s19+$0x0] =	vst.idx.msk $0xffff, v2  }
0x125: {  	v3 =	vor.u32 s3, v0;
	v2 =	vld [tilespmem:s2+$0x0];
	_ =	sdelay $0x4  }
0x126: {  	s4 =	sor.u32 s11, s6;
	s6 =	simm.s32 $0x10B;
	[tilespmem:v3+s19+$0x0] =	vst.idx.msk $0xffff, v2  }
0x127: {  	v3 =	vor.u32 s6, v0;
	v2 =	vld [tilespmem:s4+$0x0];
	_ =	sdelay $0x4  }
0x128: {  	s7 =	sor.u32 s11, s7;
	s8 =	simm.s32 $0x10C;
	[tilespmem:v3+s19+$0x0] =	vst.idx.msk $0xffff, v2  }
0x129: {  	v3 =	vor.u32 s8, v0;
	v2 =	vld [tilespmem:s7+$0x0];
	_ =	sdelay $0x4  }
0x12a: {  	s12 =	sor.u32 s11, s12;
	s20 =	simm.s32 $0x10D;
	[tilespmem:v3+s19+$0x0] =	vst.idx.msk $0xffff, v2  }
0x12b: {  	v3 =	vor.u32 s20, v0;
	v2 =	vld [tilespmem:s12+$0x0];
	_ =	sdelay $0x4  }
0x12c: {  	s21 =	sor.u32 s11, s16;
	s23 =	simm.s32 $0x10E;
	[tilespmem:v3+s19+$0x0] =	vst.idx.msk $0xffff, v2  }
0x12d: {  	v3 =	vor.u32 s23, v0;
	v2 =	vld [tilespmem:s21+$0x0];
	_ =	sdelay $0x4  }
0x12e: {  	s30 =	simm.s32 $0x10F;
	s24 =	sor.u32 s11, s10;
	[tilespmem:v3+s19+$0x0] =	vst.idx.msk $0xffff, v2  }
0x12f: {  	s31 =	simm.s32 $0x0;
	v3 =	vor.u32 s30, v0;
	v2 =	vld [tilespmem:s24+$0x0]  }
0x130: {  	s0 =	simm.s32 $0x0;
	s3 =	simm.s32 $0x0;
	s2 =	simm.s32 $0x110  }
.LBB2_5:
0x131: {  	s11 =	sadd.s32 $0xFFFFFFF0, s2;
	s31 =	sadd.s32 $0x2, s31;
	s29 =	sadd.s32 $0x20, s29  }
0x132: {  	s1 =	sadd.s32 $0xFFFFFFF0, s29;
	s4 =	sand.u32 $0x1C00, s11;
	p1 =	slt.u32 s31, $0x26  }
0x133: {  	s30 =	sadd.s32 $0x200, s30;
	s6 =	sand.u32 $0x60, s1;
	s7 =	sadd.s32 $0x2800, s4  }
0x134: {  	s8 =	sadd.s32 $0xFFFFFEF1, s30;
	s10 =	sor.u32 s6, s7;
	[tilespmem:v3+s19+$0x0] =	vst.idx.msk $0xffff, v2  }
0x135: {  	v3 =	vor.u32 s8, v0;
	v2 =	vld [tilespmem:s10+$0x0];
	_ =	sdelay $0x4  }
0x136: {  	s8 =	sadd.s32 $0xFFFFFEF2, s30;
	[tilespmem:v3+s19+$0x0] =	vst.idx.msk $0xffff, v2  }
0x137: {  	v3 =	vor.u32 s8, v0;
	v2 =	vld [tilespmem:s10+$0x80];
	_ =	sdelay $0x4  }
0x138: {  	s8 =	sadd.s32 $0xFFFFFEF3, s30;
	[tilespmem:v3+s19+$0x0] =	vst.idx.msk $0xffff, v2  }
0x139: {  	v3 =	vor.u32 s8, v0;
	v2 =	vld [tilespmem:s10+$0x100];
	_ =	sdelay $0x4  }
0x13a: {  	s8 =	sadd.s32 $0xFFFFFEF4, s30;
	[tilespmem:v3+s19+$0x0] =	vst.idx.msk $0xffff, v2  }
0x13b: {  	v3 =	vor.u32 s8, v0;
	v2 =	vld [tilespmem:s10+$0x180];
	_ =	sdelay $0x4  }
0x13c: {  	s8 =	sadd.s32 $0xFFFFFEF5, s30;
	[tilespmem:v3+s19+$0x0] =	vst.idx.msk $0xffff, v2  }
0x13d: {  	v3 =	vor.u32 s8, v0;
	v2 =	vld [tilespmem:s10+$0x200];
	_ =	sdelay $0x4  }
0x13e: {  	s8 =	sadd.s32 $0xFFFFFEF6, s30;
	[tilespmem:v3+s19+$0x0] =	vst.idx.msk $0xffff, v2  }
0x13f: {  	v3 =	vor.u32 s8, v0;
	v2 =	vld [tilespmem:s10+$0x280]  }
0x140: {  	s28 =	sadd.s32 $0x1, s28  }
0x141: {  	s8 =	sand.u32 $0x3, s28  }
0x142: {  	s0 =	sadd.s32 $0x100, s0;
	s8 =	sshll.u32 s8, $0x5  }
0x143: {  	s8 =	sadd.s32 s8, s0  }
0x144: {  	s10 =	sadd.s32 $0xFFFFFEF7, s30;
	s8 =	sor.u32 $0x300, s8;
	[tilespmem:v3+s19+$0x0] =	vst.idx.msk $0xffff, v2  }
0x145: {  	v3 =	vor.u32 s10, v0;
	v2 =	vld [tilespmem:s8+$0x2800];
	_ =	sdelay $0x3  }
0x146: {  	s1 =	sor.u32 s1, s11  }
0x147: {  	s1 =	sor.u32 $0x380, s1;
	s8 =	sadd.s32 $0xFFFFFEF8, s30;
	[tilespmem:v3+s19+$0x0] =	vst.idx.msk $0xffff, v2  }
0x148: {  	v3 =	vor.u32 s8, v0;
	v2 =	vld [tilespmem:s1+$0x2800];
	_ =	sdelay $0x3  }
0x149: {  	s10 =	sadd.s32 $0x3C00, s4  }
0x14a: {  	s8 =	sadd.s32 $0xFFFFFEF9, s30;
	s1 =	sor.u32 s6, s10;
	[tilespmem:v3+s19+$0x0] =	vst.idx.msk $0xffff, v2  }
0x14b: {  	v3 =	vor.u32 s8, v0;
	v2 =	vld [tilespmem:s1+$0x0];
	_ =	sdelay $0x3  }
0x14c: {  	s12 =	sadd.s32 $0x3C80, s4  }
0x14d: {  	s8 =	sadd.s32 $0xFFFFFEFA, s30;
	s1 =	sor.u32 s6, s12;
	[tilespmem:v3+s19+$0x0] =	vst.idx.msk $0xffff, v2  }
0x14e: {  	v3 =	vor.u32 s8, v0;
	v2 =	vld [tilespmem:s1+$0x0];
	_ =	sdelay $0x3  }
0x14f: {  	s21 =	sadd.s32 $0x3D00, s4  }
0x150: {  	s8 =	sadd.s32 $0xFFFFFEFB, s30;
	s1 =	sor.u32 s6, s21;
	[tilespmem:v3+s19+$0x0] =	vst.idx.msk $0xffff, v2  }
0x151: {  	v3 =	vor.u32 s8, v0;
	v2 =	vld [tilespmem:s1+$0x0];
	_ =	sdelay $0x3  }
0x152: {  	s20 =	sadd.s32 $0x3D80, s4  }
0x153: {  	s8 =	sadd.s32 $0xFFFFFEFC, s30;
	s1 =	sor.u32 s6, s20;
	[tilespmem:v3+s19+$0x0] =	vst.idx.msk $0xffff, v2  }
0x154: {  	v3 =	vor.u32 s8, v0;
	v2 =	vld [tilespmem:s1+$0x0];
	_ =	sdelay $0x3  }
0x155: {  	s23 =	sadd.s32 $0x3E00, s4  }
0x156: {  	s8 =	sadd.s32 $0xFFFFFEFD, s30;
	s1 =	sor.u32 s6, s23;
	[tilespmem:v3+s19+$0x0] =	vst.idx.msk $0xffff, v2  }
0x157: {  	v3 =	vor.u32 s8, v0;
	v2 =	vld [tilespmem:s1+$0x0];
	_ =	sdelay $0x3  }
0x158: {  	s16 =	sadd.s32 $0x3E80, s4  }
0x159: {  	s8 =	sadd.s32 $0xFFFFFEFE, s30;
	s1 =	sor.u32 s6, s16;
	[tilespmem:v3+s19+$0x0] =	vst.idx.msk $0xffff, v2  }
0x15a: {  	v3 =	vor.u32 s8, v0;
	v2 =	vld [tilespmem:s1+$0x0];
	_ =	sdelay $0x3  }
0x15b: {  	s1 =	sadd.s32 $0x3F00, s4  }
0x15c: {  	s24 =	sadd.s32 $0xFFFFFEFF, s30;
	s8 =	sor.u32 s6, s1;
	[tilespmem:v3+s19+$0x0] =	vst.idx.msk $0xffff, v2  }
0x15d: {  	v3 =	vor.u32 s24, v0;
	v2 =	vld [tilespmem:s8+$0x0];
	_ =	sdelay $0x3  }
0x15e: {  	s4 =	sadd.s32 $0x3F80, s4  }
0x15f: {  	s6 =	sor.u32 s6, s4;
	s8 =	sadd.s32 $0xFFFFFF00, s30;
	[tilespmem:v3+s19+$0x0] =	vst.idx.msk $0xffff, v2  }
0x160: {  	v3 =	vor.u32 s8, v0;
	v2 =	vld [tilespmem:s6+$0x0];
	_ =	sdelay $0x3  }
0x161: {  	s6 =	sand.u32 $0x70, s29  }
0x162: {  	s8 =	sadd.s32 $0xFFFFFFF1, s30;
	s7 =	sor.u32 s6, s7;
	[tilespmem:v3+s19+$0x0] =	vst.idx.msk $0xffff, v2  }
0x163: {  	v3 =	vor.u32 s8, v0;
	v2 =	vld [tilespmem:s7+$0x0];
	_ =	sdelay $0x4  }
0x164: {  	s8 =	sadd.s32 $0xFFFFFFF2, s30;
	[tilespmem:v3+s19+$0x0] =	vst.idx.msk $0xffff, v2  }
0x165: {  	v3 =	vor.u32 s8, v0;
	v2 =	vld [tilespmem:s7+$0x80];
	_ =	sdelay $0x4  }
0x166: {  	s8 =	sadd.s32 $0xFFFFFFF3, s30;
	[tilespmem:v3+s19+$0x0] =	vst.idx.msk $0xffff, v2  }
0x167: {  	v3 =	vor.u32 s8, v0;
	v2 =	vld [tilespmem:s7+$0x100];
	_ =	sdelay $0x4  }
0x168: {  	s8 =	sadd.s32 $0xFFFFFFF4, s30;
	[tilespmem:v3+s19+$0x0] =	vst.idx.msk $0xffff, v2  }
0x169: {  	v3 =	vor.u32 s8, v0;
	v2 =	vld [tilespmem:s7+$0x180];
	_ =	sdelay $0x4  }
0x16a: {  	s8 =	sadd.s32 $0xFFFFFFF5, s30;
	[tilespmem:v3+s19+$0x0] =	vst.idx.msk $0xffff, v2  }
0x16b: {  	v3 =	vor.u32 s8, v0;
	v2 =	vld [tilespmem:s7+$0x200];
	_ =	sdelay $0x4  }
0x16c: {  	s8 =	sadd.s32 $0xFFFFFFF6, s30;
	[tilespmem:v3+s19+$0x0] =	vst.idx.msk $0xffff, v2  }
0x16d: {  	s3 =	sadd.s32 $0x2, s3;
	v3 =	vor.u32 s8, v0;
	v2 =	vld [tilespmem:s7+$0x280]  }
0x16e: {  	s7 =	sand.u32 $0x7, s3  }
0x16f: {  	s7 =	sshll.u32 s7, $0x4  }
0x170: {  	s7 =	sadd.s32 s11, s7  }
0x171: {  	s7 =	sadd.s32 $0x10, s7  }
0x172: {  	s8 =	sadd.s32 $0xFFFFFFF7, s30;
	s7 =	sor.u32 $0x300, s7;
	[tilespmem:v3+s19+$0x0] =	vst.idx.msk $0xffff, v2  }
0x173: {  	v3 =	vor.u32 s8, v0;
	v2 =	vld [tilespmem:s7+$0x2800];
	_ =	sdelay $0x3  }
0x174: {  	s7 =	sor.u32 s29, s11  }
0x175: {  	s8 =	sadd.s32 $0xFFFFFFF8, s30;
	s7 =	sor.u32 $0x380, s7;
	[tilespmem:v3+s19+$0x0] =	vst.idx.msk $0xffff, v2  }
0x176: {  	v3 =	vor.u32 s8, v0;
	v2 =	vld [tilespmem:s7+$0x2800];
	_ =	sdelay $0x4  }
0x177: {  	s8 =	sadd.s32 $0xFFFFFFF9, s30;
	s7 =	sor.u32 s6, s10;
	[tilespmem:v3+s19+$0x0] =	vst.idx.msk $0xffff, v2  }
0x178: {  	v3 =	vor.u32 s8, v0;
	v2 =	vld [tilespmem:s7+$0x0];
	_ =	sdelay $0x4  }
0x179: {  	s8 =	sadd.s32 $0xFFFFFFFA, s30;
	s7 =	sor.u32 s6, s12;
	[tilespmem:v3+s19+$0x0] =	vst.idx.msk $0xffff, v2  }
0x17a: {  	v3 =	vor.u32 s8, v0;
	v2 =	vld [tilespmem:s7+$0x0];
	_ =	sdelay $0x4  }
0x17b: {  	s8 =	sadd.s32 $0xFFFFFFFB, s30;
	s7 =	sor.u32 s6, s21;
	[tilespmem:v3+s19+$0x0] =	vst.idx.msk $0xffff, v2  }
0x17c: {  	v3 =	vor.u32 s8, v0;
	v2 =	vld [tilespmem:s7+$0x0];
	_ =	sdelay $0x4  }
0x17d: {  	s8 =	sadd.s32 $0xFFFFFFFC, s30;
	s7 =	sor.u32 s6, s20;
	[tilespmem:v3+s19+$0x0] =	vst.idx.msk $0xffff, v2  }
0x17e: {  	v3 =	vor.u32 s8, v0;
	v2 =	vld [tilespmem:s7+$0x0];
	_ =	sdelay $0x4  }
0x17f: {  	s8 =	sadd.s32 $0xFFFFFFFD, s30;
	s7 =	sor.u32 s6, s23;
	[tilespmem:v3+s19+$0x0] =	vst.idx.msk $0xffff, v2  }
0x180: {  	v3 =	vor.u32 s8, v0;
	v2 =	vld [tilespmem:s7+$0x0];
	_ =	sdelay $0x4  }
0x181: {  	s8 =	sadd.s32 $0xFFFFFFFE, s30;
	s7 =	sor.u32 s6, s16;
	[tilespmem:v3+s19+$0x0] =	vst.idx.msk $0xffff, v2  }
0x182: {  	v3 =	vor.u32 s8, v0;
	v2 =	vld [tilespmem:s7+$0x0];
	_ =	sdelay $0x4  }
0x183: {  	s1 =	sor.u32 s6, s1;
	s7 =	sadd.s32 $0xFFFFFFFF, s30;
	[tilespmem:v3+s19+$0x0] =	vst.idx.msk $0xffff, v2  }
0x184: {  	v3 =	vor.u32 s7, v0;
	v2 =	vld [tilespmem:s1+$0x0];
	_ =	sdelay $0x2  }
.Ltmp3:
0x185: {  	(pc) =	sbr.rel @p1 .LBB2_5-.Ltmp3, $4  }
0x186: {  	_ = 	snop  }
0x187: {  	s1 =	sor.u32 s6, s4;
	[tilespmem:v3+s19+$0x0] =	vst.idx.msk $0xffff, v2  }
0x188: {  	v3 =	vor.u32 s30, v0;
	v2 =	vld [tilespmem:s1+$0x0]  }
0x189: {  	s2 =	sadd.s32 $0x100, s2  }
0x18a: {  	s25 =	sadd.s32 $0x1, s25  }
0x18b: {  	p1 =	sne.s32 s25, $0x3F  }
.Ltmp4:
0x18c: {  	_ = 	snop;
	(pc) =	sbr.rel @p1 .LBB2_2-.Ltmp4, $4  }
0x18d: {  	_ = 	snop  }
0x18e: {  	s0 =	sshll.u32 s26, $0x1  }
0x18f: {  	s0 =	sadd.s32 s9, s0;
	[tilespmem:v3+s19+$0x0] =	vst.idx.msk $0xffff, v2  }
0x190: {  	[hbm4b:s0+s5] =	stream.linear.scatter [tilespmem:s19], [sflag:$0x4], $0x2800, $0x38;
	[tilespmem:$0xA800] =	vst v63  }
0x191: {  	_ =	swait.ge [sflag:s15], $0x2800  }
0x192: {  	[sflag:s15] =	ssyncset.done $0x0  }
0x193: {  	s29 =	simm.s32 $0x3;
	[sflag:s15] =	ssyncadd.s32 $0xFFFFD800  }
0x194: {  	s0 =	simm.s32 $0x0;
	_ =	swait.ge [sflag:s29], $0x2800  }
0x195: {  	s10 =	sand.u32 $0x60, s0;
	s1 =	sand.u32 $0x1C00, s0;
	[sflag:s29] =	ssyncset.done $0x0  }
0x196: {  	s2 =	simm.s32 $0x0;
	s3 =	sor.u32 s10, s1;
	[sflag:s29] =	ssyncadd.s32 $0xFFFFD800  }
0x197: {  	v3 =	vor.u32 s2, v0;
	v2 =	vld [tilespmem:s3+$0x0];
	_ =	sdelay $0x4  }
0x198: {  	s26 =	simm.s32 $0x1;
	[tilespmem:v3+s17+$0x0] =	vst.idx.msk $0xffff, v2  }
0x199: {  	v3 =	vor.u32 s26, v0;
	v2 =	vld [tilespmem:s3+$0x80];
	_ =	sdelay $0x4  }
0x19a: {  	s30 =	simm.s32 $0x2;
	[tilespmem:v3+s17+$0x0] =	vst.idx.msk $0xffff, v2  }
0x19b: {  	v3 =	vor.u32 s30, v0;
	v2 =	vld [tilespmem:s3+$0x100];
	_ =	sdelay $0x4  }
0x19c: {  	s31 =	simm.s32 $0x3;
	[tilespmem:v3+s17+$0x0] =	vst.idx.msk $0xffff, v2  }
0x19d: {  	v3 =	vor.u32 s31, v0;
	v2 =	vld [tilespmem:s3+$0x180];
	_ =	sdelay $0x4  }
0x19e: {  	s4 =	simm.s32 $0x4;
	[tilespmem:v3+s17+$0x0] =	vst.idx.msk $0xffff, v2  }
0x19f: {  	v3 =	vor.u32 s4, v0;
	v2 =	vld [tilespmem:s3+$0x200];
	_ =	sdelay $0x4  }
0x1a0: {  	s6 =	simm.s32 $0x5;
	[tilespmem:v3+s17+$0x0] =	vst.idx.msk $0xffff, v2  }
0x1a1: {  	v3 =	vor.u32 s6, v0;
	v2 =	vld [tilespmem:s3+$0x280]  }
0x1a2: {  	s25 =	simm.s32 $0x0  }
0x1a3: {  	s7 =	sand.u32 $0x3, s25  }
0x1a4: {  	s2 =	sshll.u32 s7, $0x5  }
0x1a5: {  	s2 =	sadd.s32 $0x0, s2  }
0x1a6: {  	s8 =	simm.s32 $0x6;
	s2 =	sor.u32 $0x300, s2;
	[tilespmem:v3+s17+$0x0] =	vst.idx.msk $0xffff, v2  }
0x1a7: {  	v3 =	vor.u32 s8, v0;
	v2 =	vld [tilespmem:s2+$0x0];
	_ =	sdelay $0x3  }
0x1a8: {  	s11 =	sor.u32 s0, s0  }
0x1a9: {  	s12 =	simm.s32 $0x7;
	s2 =	sor.u32 $0x380, s11;
	[tilespmem:v3+s17+$0x0] =	vst.idx.msk $0xffff, v2  }
0x1aa: {  	v3 =	vor.u32 s12, v0;
	v2 =	vld [tilespmem:s2+$0x0];
	_ =	sdelay $0x3  }
0x1ab: {  	s2 =	sadd.s32 $0x1400, s1  }
0x1ac: {  	s4 =	simm.s32 $0x8;
	s16 =	sor.u32 s10, s2;
	[tilespmem:v3+s17+$0x0] =	vst.idx.msk $0xffff, v2  }
0x1ad: {  	v3 =	vor.u32 s4, v0;
	v2 =	vld [tilespmem:s16+$0x0];
	_ =	sdelay $0x3  }
0x1ae: {  	s3 =	sadd.s32 $0x1480, s1  }
0x1af: {  	s6 =	simm.s32 $0x9;
	s20 =	sor.u32 s10, s3;
	[tilespmem:v3+s17+$0x0] =	vst.idx.msk $0xffff, v2  }
0x1b0: {  	v3 =	vor.u32 s6, v0;
	v2 =	vld [tilespmem:s20+$0x0];
	_ =	sdelay $0x3  }
0x1b1: {  	s4 =	sadd.s32 $0x1500, s1  }
0x1b2: {  	s7 =	simm.s32 $0xA;
	s21 =	sor.u32 s10, s4;
	[tilespmem:v3+s17+$0x0] =	vst.idx.msk $0xffff, v2  }
0x1b3: {  	v3 =	vor.u32 s7, v0;
	v2 =	vld [tilespmem:s21+$0x0];
	_ =	sdelay $0x3  }
0x1b4: {  	s6 =	sadd.s32 $0x1580, s1  }
0x1b5: {  	s8 =	simm.s32 $0xB;
	s23 =	sor.u32 s10, s6;
	[tilespmem:v3+s17+$0x0] =	vst.idx.msk $0xffff, v2  }
0x1b6: {  	v3 =	vor.u32 s8, v0;
	v2 =	vld [tilespmem:s23+$0x0];
	_ =	sdelay $0x3  }
0x1b7: {  	s7 =	sadd.s32 $0x1600, s1  }
0x1b8: {  	s11 =	simm.s32 $0xC;
	s24 =	sor.u32 s10, s7;
	[tilespmem:v3+s17+$0x0] =	vst.idx.msk $0xffff, v2  }
0x1b9: {  	v3 =	vor.u32 s11, v0;
	v2 =	vld [tilespmem:s24+$0x0];
	_ =	sdelay $0x3  }
0x1ba: {  	s11 =	sadd.s32 $0x1680, s1  }
0x1bb: {  	s12 =	simm.s32 $0xD;
	s26 =	sor.u32 s10, s11;
	[tilespmem:v3+s17+$0x0] =	vst.idx.msk $0xffff, v2  }
0x1bc: {  	v3 =	vor.u32 s12, v0;
	v2 =	vld [tilespmem:s26+$0x0];
	_ =	sdelay $0x3  }
0x1bd: {  	s16 =	sadd.s32 $0x1700, s1  }
0x1be: {  	s31 =	simm.s32 $0xE;
	s30 =	sor.u32 s10, s16;
	[tilespmem:v3+s17+$0x0] =	vst.idx.msk $0xffff, v2  }
0x1bf: {  	v3 =	vor.u32 s31, v0;
	v2 =	vld [tilespmem:s30+$0x0];
	_ =	sdelay $0x3  }
0x1c0: {  	s12 =	sadd.s32 $0x1780, s1  }
0x1c1: {  	s21 =	simm.s32 $0xF;
	s20 =	sor.u32 s10, s12;
	[tilespmem:v3+s17+$0x0] =	vst.idx.msk $0xffff, v2  }
0x1c2: {  	v3 =	vor.u32 s21, v0;
	v2 =	vld [tilespmem:s20+$0x0];
	_ =	sdelay $0x2  }
0x1c3: {  	s8 =	simm.s32 $0x10  }
0x1c4: {  	s10 =	sand.u32 $0x70, s8  }
0x1c5: {  	s1 =	sor.u32 s10, s1;
	s20 =	simm.s32 $0x100;
	[tilespmem:v3+s17+$0x0] =	vst.idx.msk $0xffff, v2  }
0x1c6: {  	v3 =	vor.u32 s20, v0;
	v2 =	vld [tilespmem:s1+$0x0];
	_ =	sdelay $0x4  }
0x1c7: {  	s23 =	simm.s32 $0x101;
	[tilespmem:v3+s17+$0x0] =	vst.idx.msk $0xffff, v2  }
0x1c8: {  	v3 =	vor.u32 s23, v0;
	v2 =	vld [tilespmem:s1+$0x80];
	_ =	sdelay $0x4  }
0x1c9: {  	s24 =	simm.s32 $0x102;
	[tilespmem:v3+s17+$0x0] =	vst.idx.msk $0xffff, v2  }
0x1ca: {  	v3 =	vor.u32 s24, v0;
	v2 =	vld [tilespmem:s1+$0x100];
	_ =	sdelay $0x4  }
0x1cb: {  	s26 =	simm.s32 $0x103;
	[tilespmem:v3+s17+$0x0] =	vst.idx.msk $0xffff, v2  }
0x1cc: {  	v3 =	vor.u32 s26, v0;
	v2 =	vld [tilespmem:s1+$0x180];
	_ =	sdelay $0x4  }
0x1cd: {  	s30 =	simm.s32 $0x104;
	[tilespmem:v3+s17+$0x0] =	vst.idx.msk $0xffff, v2  }
0x1ce: {  	v3 =	vor.u32 s30, v0;
	v2 =	vld [tilespmem:s1+$0x200];
	_ =	sdelay $0x4  }
0x1cf: {  	s31 =	simm.s32 $0x105;
	[tilespmem:v3+s17+$0x0] =	vst.idx.msk $0xffff, v2  }
0x1d0: {  	v3 =	vor.u32 s31, v0;
	v2 =	vld [tilespmem:s1+$0x280]  }
0x1d1: {  	s20 =	sand.u32 $0x7, s25  }
0x1d2: {  	s1 =	sshll.u32 s20, $0x4  }
0x1d3: {  	s1 =	sadd.s32 $0x0, s1  }
0x1d4: {  	s1 =	sadd.s32 $0x10, s1  }
0x1d5: {  	s21 =	simm.s32 $0x106;
	s1 =	sor.u32 $0x300, s1;
	[tilespmem:v3+s17+$0x0] =	vst.idx.msk $0xffff, v2  }
0x1d6: {  	v3 =	vor.u32 s21, v0;
	v2 =	vld [tilespmem:s1+$0x0];
	_ =	sdelay $0x3  }
0x1d7: {  	s0 =	sor.u32 s8, s0  }
0x1d8: {  	s0 =	sor.u32 $0x380, s0;
	s23 =	simm.s32 $0x107;
	[tilespmem:v3+s17+$0x0] =	vst.idx.msk $0xffff, v2  }
0x1d9: {  	v3 =	vor.u32 s23, v0;
	v2 =	vld [tilespmem:s0+$0x0];
	_ =	sdelay $0x4  }
0x1da: {  	s24 =	sor.u32 s10, s2;
	s26 =	simm.s32 $0x108;
	[tilespmem:v3+s17+$0x0] =	vst.idx.msk $0xffff, v2  }
0x1db: {  	v3 =	vor.u32 s26, v0;
	v2 =	vld [tilespmem:s24+$0x0];
	_ =	sdelay $0x4  }
0x1dc: {  	s30 =	sor.u32 s10, s3;
	s31 =	simm.s32 $0x109;
	[tilespmem:v3+s17+$0x0] =	vst.idx.msk $0xffff, v2  }
0x1dd: {  	v3 =	vor.u32 s31, v0;
	v2 =	vld [tilespmem:s30+$0x0];
	_ =	sdelay $0x4  }
0x1de: {  	s2 =	sor.u32 s10, s4;
	s3 =	simm.s32 $0x10A;
	[tilespmem:v3+s17+$0x0] =	vst.idx.msk $0xffff, v2  }
0x1df: {  	v3 =	vor.u32 s3, v0;
	v2 =	vld [tilespmem:s2+$0x0];
	_ =	sdelay $0x4  }
0x1e0: {  	s4 =	sor.u32 s10, s6;
	s6 =	simm.s32 $0x10B;
	[tilespmem:v3+s17+$0x0] =	vst.idx.msk $0xffff, v2  }
0x1e1: {  	v3 =	vor.u32 s6, v0;
	v2 =	vld [tilespmem:s4+$0x0];
	_ =	sdelay $0x4  }
0x1e2: {  	s8 =	sor.u32 s10, s7;
	s20 =	simm.s32 $0x10C;
	[tilespmem:v3+s17+$0x0] =	vst.idx.msk $0xffff, v2  }
0x1e3: {  	v3 =	vor.u32 s20, v0;
	v2 =	vld [tilespmem:s8+$0x0];
	_ =	sdelay $0x4  }
0x1e4: {  	s21 =	sor.u32 s10, s11;
	s23 =	simm.s32 $0x10D;
	[tilespmem:v3+s17+$0x0] =	vst.idx.msk $0xffff, v2  }
0x1e5: {  	v3 =	vor.u32 s23, v0;
	v2 =	vld [tilespmem:s21+$0x0];
	_ =	sdelay $0x4  }
0x1e6: {  	s26 =	simm.s32 $0x10E;
	s24 =	sor.u32 s10, s16;
	[tilespmem:v3+s17+$0x0] =	vst.idx.msk $0xffff, v2  }
0x1e7: {  	v3 =	vor.u32 s26, v0;
	v2 =	vld [tilespmem:s24+$0x0];
	_ =	sdelay $0x4  }
0x1e8: {  	s31 =	sor.u32 s10, s12;
	s30 =	simm.s32 $0x10F;
	[tilespmem:v3+s17+$0x0] =	vst.idx.msk $0xffff, v2  }
0x1e9: {  	v3 =	vor.u32 s30, v0;
	v2 =	vld [tilespmem:s31+$0x0]  }
0x1ea: {  	s28 =	simm.s32 $0x30;
	s11 =	simm.s32 $0x0;
	s0 =	simm.s32 $0x110  }
0x1eb: {  	s3 =	simm.s32 $0x0;
	s2 =	simm.s32 $0x30F;
	s26 =	simm.s32 $0x0  }
.LBB2_8:
0x1ec: {  	s23 =	sadd.s32 $0xFFFFFFF0, s0;
	s1 =	sadd.s32 $0xFFFFFFF0, s28;
	s26 =	sadd.s32 $0x2, s26  }
0x1ed: {  	s6 =	sand.u32 $0x60, s1;
	s7 =	sand.u32 $0x1C00, s23;
	p1 =	slt.u32 s26, $0x26  }
0x1ee: {  	s4 =	sadd.s32 $0xFFFFFEF1, s2;
	s8 =	sor.u32 s6, s7;
	[tilespmem:v3+s17+$0x0] =	vst.idx.msk $0xffff, v2  }
0x1ef: {  	v3 =	vor.u32 s4, v0;
	v2 =	vld [tilespmem:s8+$0x0];
	_ =	sdelay $0x4  }
0x1f0: {  	s4 =	sadd.s32 $0xFFFFFEF2, s2;
	[tilespmem:v3+s17+$0x0] =	vst.idx.msk $0xffff, v2  }
0x1f1: {  	v3 =	vor.u32 s4, v0;
	v2 =	vld [tilespmem:s8+$0x80];
	_ =	sdelay $0x4  }
0x1f2: {  	s4 =	sadd.s32 $0xFFFFFEF3, s2;
	[tilespmem:v3+s17+$0x0] =	vst.idx.msk $0xffff, v2  }
0x1f3: {  	v3 =	vor.u32 s4, v0;
	v2 =	vld [tilespmem:s8+$0x100];
	_ =	sdelay $0x4  }
0x1f4: {  	s4 =	sadd.s32 $0xFFFFFEF4, s2;
	[tilespmem:v3+s17+$0x0] =	vst.idx.msk $0xffff, v2  }
0x1f5: {  	v3 =	vor.u32 s4, v0;
	v2 =	vld [tilespmem:s8+$0x180];
	_ =	sdelay $0x4  }
0x1f6: {  	s4 =	sadd.s32 $0xFFFFFEF5, s2;
	[tilespmem:v3+s17+$0x0] =	vst.idx.msk $0xffff, v2  }
0x1f7: {  	v3 =	vor.u32 s4, v0;
	v2 =	vld [tilespmem:s8+$0x200];
	_ =	sdelay $0x4  }
0x1f8: {  	s4 =	sadd.s32 $0xFFFFFEF6, s2;
	[tilespmem:v3+s17+$0x0] =	vst.idx.msk $0xffff, v2  }
0x1f9: {  	v3 =	vor.u32 s4, v0;
	v2 =	vld [tilespmem:s8+$0x280]  }
0x1fa: {  	s25 =	sadd.s32 $0x1, s25  }
0x1fb: {  	s4 =	sand.u32 $0x3, s25  }
0x1fc: {  	s3 =	sadd.s32 $0x100, s3;
	s4 =	sshll.u32 s4, $0x5  }
0x1fd: {  	s4 =	sadd.s32 s4, s3  }
0x1fe: {  	s8 =	sadd.s32 $0xFFFFFEF7, s2;
	s4 =	sor.u32 $0x300, s4;
	[tilespmem:v3+s17+$0x0] =	vst.idx.msk $0xffff, v2  }
0x1ff: {  	v3 =	vor.u32 s8, v0;
	v2 =	vld [tilespmem:s4+$0x0];
	_ =	sdelay $0x3  }
0x200: {  	s1 =	sor.u32 s1, s23  }
0x201: {  	s1 =	sor.u32 $0x380, s1;
	s4 =	sadd.s32 $0xFFFFFEF8, s2;
	[tilespmem:v3+s17+$0x0] =	vst.idx.msk $0xffff, v2  }
0x202: {  	v3 =	vor.u32 s4, v0;
	v2 =	vld [tilespmem:s1+$0x0];
	_ =	sdelay $0x3  }
0x203: {  	s10 =	sadd.s32 $0x1400, s7  }
0x204: {  	s4 =	sadd.s32 $0xFFFFFEF9, s2;
	s1 =	sor.u32 s6, s10;
	[tilespmem:v3+s17+$0x0] =	vst.idx.msk $0xffff, v2  }
0x205: {  	v3 =	vor.u32 s4, v0;
	v2 =	vld [tilespmem:s1+$0x0];
	_ =	sdelay $0x3  }
0x206: {  	s12 =	sadd.s32 $0x1480, s7  }
0x207: {  	s4 =	sadd.s32 $0xFFFFFEFA, s2;
	s1 =	sor.u32 s6, s12;
	[tilespmem:v3+s17+$0x0] =	vst.idx.msk $0xffff, v2  }
0x208: {  	v3 =	vor.u32 s4, v0;
	v2 =	vld [tilespmem:s1+$0x0];
	_ =	sdelay $0x3  }
0x209: {  	s21 =	sadd.s32 $0x1500, s7  }
0x20a: {  	s4 =	sadd.s32 $0xFFFFFEFB, s2;
	s1 =	sor.u32 s6, s21;
	[tilespmem:v3+s17+$0x0] =	vst.idx.msk $0xffff, v2  }
0x20b: {  	v3 =	vor.u32 s4, v0;
	v2 =	vld [tilespmem:s1+$0x0];
	_ =	sdelay $0x3  }
0x20c: {  	s20 =	sadd.s32 $0x1580, s7  }
0x20d: {  	s4 =	sadd.s32 $0xFFFFFEFC, s2;
	s1 =	sor.u32 s6, s20;
	[tilespmem:v3+s17+$0x0] =	vst.idx.msk $0xffff, v2  }
0x20e: {  	v3 =	vor.u32 s4, v0;
	v2 =	vld [tilespmem:s1+$0x0];
	_ =	sdelay $0x3  }
0x20f: {  	s24 =	sadd.s32 $0x1600, s7  }
0x210: {  	s4 =	sadd.s32 $0xFFFFFEFD, s2;
	s1 =	sor.u32 s6, s24;
	[tilespmem:v3+s17+$0x0] =	vst.idx.msk $0xffff, v2  }
0x211: {  	v3 =	vor.u32 s4, v0;
	v2 =	vld [tilespmem:s1+$0x0];
	_ =	sdelay $0x3  }
0x212: {  	s16 =	sadd.s32 $0x1680, s7  }
0x213: {  	s4 =	sadd.s32 $0xFFFFFEFE, s2;
	s1 =	sor.u32 s6, s16;
	[tilespmem:v3+s17+$0x0] =	vst.idx.msk $0xffff, v2  }
0x214: {  	v3 =	vor.u32 s4, v0;
	v2 =	vld [tilespmem:s1+$0x0];
	_ =	sdelay $0x3  }
0x215: {  	s1 =	sadd.s32 $0x1700, s7  }
0x216: {  	s8 =	sadd.s32 $0xFFFFFEFF, s2;
	s4 =	sor.u32 s6, s1;
	[tilespmem:v3+s17+$0x0] =	vst.idx.msk $0xffff, v2  }
0x217: {  	v3 =	vor.u32 s8, v0;
	v2 =	vld [tilespmem:s4+$0x0];
	_ =	sdelay $0x3  }
0x218: {  	s4 =	sadd.s32 $0x1780, s7  }
0x219: {  	s8 =	sadd.s32 $0xFFFFFF00, s2;
	s6 =	sor.u32 s6, s4;
	[tilespmem:v3+s17+$0x0] =	vst.idx.msk $0xffff, v2  }
0x21a: {  	v3 =	vor.u32 s8, v0;
	v2 =	vld [tilespmem:s6+$0x0];
	_ =	sdelay $0x3  }
0x21b: {  	s6 =	sand.u32 $0x70, s28  }
0x21c: {  	s8 =	sadd.s32 $0xFFFFFFF1, s2;
	s7 =	sor.u32 s6, s7;
	[tilespmem:v3+s17+$0x0] =	vst.idx.msk $0xffff, v2  }
0x21d: {  	v3 =	vor.u32 s8, v0;
	v2 =	vld [tilespmem:s7+$0x0];
	_ =	sdelay $0x4  }
0x21e: {  	s8 =	sadd.s32 $0xFFFFFFF2, s2;
	[tilespmem:v3+s17+$0x0] =	vst.idx.msk $0xffff, v2  }
0x21f: {  	v3 =	vor.u32 s8, v0;
	v2 =	vld [tilespmem:s7+$0x80];
	_ =	sdelay $0x4  }
0x220: {  	s8 =	sadd.s32 $0xFFFFFFF3, s2;
	[tilespmem:v3+s17+$0x0] =	vst.idx.msk $0xffff, v2  }
0x221: {  	v3 =	vor.u32 s8, v0;
	v2 =	vld [tilespmem:s7+$0x100];
	_ =	sdelay $0x4  }
0x222: {  	s8 =	sadd.s32 $0xFFFFFFF4, s2;
	[tilespmem:v3+s17+$0x0] =	vst.idx.msk $0xffff, v2  }
0x223: {  	v3 =	vor.u32 s8, v0;
	v2 =	vld [tilespmem:s7+$0x180];
	_ =	sdelay $0x4  }
0x224: {  	s8 =	sadd.s32 $0xFFFFFFF5, s2;
	[tilespmem:v3+s17+$0x0] =	vst.idx.msk $0xffff, v2  }
0x225: {  	v3 =	vor.u32 s8, v0;
	v2 =	vld [tilespmem:s7+$0x200];
	_ =	sdelay $0x4  }
0x226: {  	s8 =	sadd.s32 $0xFFFFFFF6, s2;
	[tilespmem:v3+s17+$0x0] =	vst.idx.msk $0xffff, v2  }
0x227: {  	s11 =	sadd.s32 $0x2, s11;
	v3 =	vor.u32 s8, v0;
	v2 =	vld [tilespmem:s7+$0x280]  }
0x228: {  	s7 =	sand.u32 $0x7, s11  }
0x229: {  	s7 =	sshll.u32 s7, $0x4  }
0x22a: {  	s7 =	sadd.s32 s23, s7  }
0x22b: {  	s7 =	sadd.s32 $0x10, s7  }
0x22c: {  	s8 =	sadd.s32 $0xFFFFFFF7, s2;
	s7 =	sor.u32 $0x300, s7;
	[tilespmem:v3+s17+$0x0] =	vst.idx.msk $0xffff, v2  }
0x22d: {  	v3 =	vor.u32 s8, v0;
	v2 =	vld [tilespmem:s7+$0x0];
	_ =	sdelay $0x3  }
0x22e: {  	s7 =	sor.u32 s28, s23  }
0x22f: {  	s8 =	sadd.s32 $0xFFFFFFF8, s2;
	s7 =	sor.u32 $0x380, s7;
	[tilespmem:v3+s17+$0x0] =	vst.idx.msk $0xffff, v2  }
0x230: {  	v3 =	vor.u32 s8, v0;
	v2 =	vld [tilespmem:s7+$0x0];
	_ =	sdelay $0x4  }
0x231: {  	s8 =	sadd.s32 $0xFFFFFFF9, s2;
	s7 =	sor.u32 s6, s10;
	[tilespmem:v3+s17+$0x0] =	vst.idx.msk $0xffff, v2  }
0x232: {  	v3 =	vor.u32 s8, v0;
	v2 =	vld [tilespmem:s7+$0x0];
	_ =	sdelay $0x4  }
0x233: {  	s8 =	sadd.s32 $0xFFFFFFFA, s2;
	s7 =	sor.u32 s6, s12;
	[tilespmem:v3+s17+$0x0] =	vst.idx.msk $0xffff, v2  }
0x234: {  	v3 =	vor.u32 s8, v0;
	v2 =	vld [tilespmem:s7+$0x0];
	_ =	sdelay $0x4  }
0x235: {  	s8 =	sadd.s32 $0xFFFFFFFB, s2;
	s7 =	sor.u32 s6, s21;
	[tilespmem:v3+s17+$0x0] =	vst.idx.msk $0xffff, v2  }
0x236: {  	v3 =	vor.u32 s8, v0;
	v2 =	vld [tilespmem:s7+$0x0];
	_ =	sdelay $0x4  }
0x237: {  	s8 =	sadd.s32 $0xFFFFFFFC, s2;
	s7 =	sor.u32 s6, s20;
	[tilespmem:v3+s17+$0x0] =	vst.idx.msk $0xffff, v2  }
0x238: {  	v3 =	vor.u32 s8, v0;
	v2 =	vld [tilespmem:s7+$0x0];
	_ =	sdelay $0x4  }
0x239: {  	s8 =	sadd.s32 $0xFFFFFFFD, s2;
	s7 =	sor.u32 s6, s24;
	[tilespmem:v3+s17+$0x0] =	vst.idx.msk $0xffff, v2  }
0x23a: {  	v3 =	vor.u32 s8, v0;
	v2 =	vld [tilespmem:s7+$0x0];
	_ =	sdelay $0x4  }
0x23b: {  	s8 =	sadd.s32 $0xFFFFFFFE, s2;
	s7 =	sor.u32 s6, s16;
	[tilespmem:v3+s17+$0x0] =	vst.idx.msk $0xffff, v2  }
0x23c: {  	v3 =	vor.u32 s8, v0;
	v2 =	vld [tilespmem:s7+$0x0];
	_ =	sdelay $0x4  }
0x23d: {  	s1 =	sor.u32 s6, s1;
	s7 =	sadd.s32 $0xFFFFFFFF, s2;
	[tilespmem:v3+s17+$0x0] =	vst.idx.msk $0xffff, v2  }
0x23e: {  	v3 =	vor.u32 s7, v0;
	v2 =	vld [tilespmem:s1+$0x0];
	_ =	sdelay $0x3  }
.Ltmp5:
0x23f: {  	(pc) =	sbr.rel @p1 .LBB2_8-.Ltmp5, $3  }
0x240: {  	s1 =	sor.u32 s6, s4;
	[tilespmem:v3+s17+$0x0] =	vst.idx.msk $0xffff, v2  }
0x241: {  	v3 =	vor.u32 s2, v0;
	v2 =	vld [tilespmem:s1+$0x0];
	_ =	sdelay $0x1  }
0x242: {  	s0 =	sadd.s32 $0x100, s0;
	s28 =	sadd.s32 $0x20, s28;
	s2 =	sadd.s32 $0x200, s2  }
0x243: {  	_ =	sdelay $0x3  }
0x244: {  	s0 =	rddreg [dreg:$0x8];
	[tilespmem:v3+s17+$0x0] =	vst.idx.msk $0xffff, v2  }
0x245: {  	[hbm4b:s0+s5] =	stream.linear.scatter [tilespmem:s17], [sflag:$0x3], $0x2800, $0x38;
	[tilespmem:$0xA800] =	vst v63  }
0x246: {  	_ =	swait.ge [sflag:s29], $0x2800  }
.Ltmp6:
0x247: {  	[sflag:s29] =	ssyncset.done $0x0;
	(pc) =	sbr.rel @p0 .LBB2_13-.Ltmp6, $4  }
0x248: {  	s31 =	simm.s32 $0x4;
	[sflag:s29] =	ssyncadd.s32 $0xFFFFD800  }
0x249: {  	_ =	swait.ge [sflag:s31], $0x2800  }
0x24a: {  	[sflag:s31] =	ssyncset.done $0x0  }
0x24b: {  	s1 =	rddreg [dreg:$0xb];
	[sflag:s31] =	ssyncadd.s32 $0xFFFFD800  }
0x24c: {  	s0 =	simm.s32 $0x0  }
0x24d: {  	v2 =	vmov s0  }
0x24e: {  	v2 =	vand.u32 $0x78, v2  }
0x24f: {  	v2 =	vbroadcast v2, $0x0;
	_ =	sdelay $0x1  }
0x250: {  	s1 =	rddreg [dreg:$0x1];
	s21 =	simm.s32 $0x1;
	s23 =	simm.s32 $0x5;
	v2 =	vor.u32 v1, v2  }
0x251: {  	[tilespmem:s22], [sflag:$0x5] =	stream.linear.gather [hbm4b:s1+s0], $0x800, $0x38;
	[tilespmem:$0xA800] =	vst v63  }
0x252: {  	v3 =	vmov s21;
	_ =	swait.ge [sflag:s23], $0x800  }
0x253: {  	v3 =	vand.u32 $0x79, v3;
	[sflag:s23] =	ssyncset.done $0x0  }
0x254: {  	v3 =	vbroadcast v3, $0x0;
	[sflag:s23] =	ssyncadd.s32 $0xFFFFF800  }
0x255: {  	v2 =	vld.idx.msk [tilespmem:v2+s22+$0x0], $0xffff  }
0x256: {  	v3 =	vor.u32 v1, v3  }
0x257: {  	s24 =	simm.s32 $0x2  }
0x258: {  	v4 =	vmov s24  }
0x259: {  	s0 =	simm.s32 $0x5040;
	v4 =	vand.u32 $0x7A, v4  }
0x25a: {  	[tilespmem:s0+$0xFFFFFFC0] =	vst v2;
	v2 =	vbroadcast v4, $0x0  }
0x25b: {  	v3 =	vld.idx.msk [tilespmem:v3+s22+$0x0], $0xffff  }
0x25c: {  	v2 =	vor.u32 v1, v2  }
0x25d: {  	s25 =	simm.s32 $0x3  }
0x25e: {  	v4 =	vmov s25  }
0x25f: {  	v4 =	vand.u32 $0x7B, v4  }
0x260: {  	[tilespmem:s0+$0xFFFFFFD0] =	vst v3;
	v3 =	vbroadcast v4, $0x0  }
0x261: {  	v2 =	vld.idx.msk [tilespmem:v2+s22+$0x0], $0xffff  }
0x262: {  	v3 =	vor.u32 v1, v3  }
0x263: {  	s26 =	simm.s32 $0x4  }
0x264: {  	v4 =	vmov s26  }
0x265: {  	v4 =	vand.u32 $0x7C, v4  }
0x266: {  	[tilespmem:s0+$0xFFFFFFE0] =	vst v2;
	v2 =	vbroadcast v4, $0x0  }
0x267: {  	v3 =	vld.idx.msk [tilespmem:v3+s22+$0x0], $0xffff  }
0x268: {  	v2 =	vor.u32 v1, v2  }
0x269: {  	s28 =	simm.s32 $0x5  }
0x26a: {  	v4 =	vmov s28  }
0x26b: {  	v4 =	vand.u32 $0x7D, v4  }
0x26c: {  	[tilespmem:s0+$0xFFFFFFF0] =	vst v3;
	v3 =	vbroadcast v4, $0x0  }
0x26d: {  	v2 =	vld.idx.msk [tilespmem:v2+s22+$0x0], $0xffff  }
0x26e: {  	v3 =	vor.u32 v1, v3  }
0x26f: {  	s30 =	simm.s32 $0x6  }
0x270: {  	v4 =	vmov s30  }
0x271: {  	v4 =	vand.u32 $0x7E, v4  }
0x272: {  	[tilespmem:s0+$0x0] =	vst v2;
	v2 =	vbroadcast v4, $0x0  }
0x273: {  	v3 =	vld.idx.msk [tilespmem:v3+s22+$0x0], $0xffff  }
0x274: {  	v2 =	vor.u32 v1, v2  }
0x275: {  	s31 =	simm.s32 $0x7  }
0x276: {  	v4 =	vmov s31  }
0x277: {  	v4 =	vand.u32 $0x7F, v4  }
0x278: {  	v4 =	vbroadcast v4, $0x0;
	[tilespmem:s0+$0x10] =	vst v3  }
0x279: {  	v2 =	vld.idx.msk [tilespmem:v2+s22+$0x0], $0xffff  }
0x27a: {  	v3 =	vor.u32 v1, v4;
	_ =	sdelay $0x1  }
0x27b: {  	s1 =	simm.s32 $0x8  }
0x27c: {  	s2 =	simm.s32 $0x10;
	v4 =	vmov s1  }
.LBB2_11:
0x27d: {  	p1 =	slt.u32 s2, $0x38;
	v4 =	vand.u32 $0x78, v4;
	[tilespmem:s0+$0x20] =	vst v2  }
0x27e: {  	v2 =	vbroadcast v4, $0x0;
	v3 =	vld.idx.msk [tilespmem:v3+s22+$0x0], $0xffff;
	_ =	sdelay $0x1  }
0x27f: {  	v2 =	vor.u32 v1, v2;
	_ =	sdelay $0x1  }
0x280: {  	s3 =	sadd.s32 $0x1, s1  }
0x281: {  	v4 =	vmov s3  }
0x282: {  	v4 =	vand.u32 $0x79, v4;
	[tilespmem:s0+$0x30] =	vst v3  }
0x283: {  	v3 =	vbroadcast v4, $0x0;
	v2 =	vld.idx.msk [tilespmem:v2+s22+$0x0], $0xffff;
	_ =	sdelay $0x1  }
0x284: {  	v3 =	vor.u32 v1, v3;
	_ =	sdelay $0x1  }
0x285: {  	s3 =	sadd.s32 $0x2, s1  }
0x286: {  	v4 =	vmov s3;
	s0 =	sadd.s32 $0x80, s0  }
0x287: {  	[tilespmem:s0+$0xFFFFFFC0] =	vst v2;
	v2 =	vand.u32 $0x7A, v4  }
0x288: {  	v3 =	vld.idx.msk [tilespmem:v3+s22+$0x0], $0xffff;
	v2 =	vbroadcast v2, $0x0;
	_ =	sdelay $0x1  }
0x289: {  	v2 =	vor.u32 v1, v2;
	_ =	sdelay $0x1  }
0x28a: {  	s3 =	sadd.s32 $0x3, s1  }
0x28b: {  	v4 =	vmov s3  }
0x28c: {  	[tilespmem:s0+$0xFFFFFFD0] =	vst v3;
	v3 =	vand.u32 $0x7B, v4  }
0x28d: {  	v2 =	vld.idx.msk [tilespmem:v2+s22+$0x0], $0xffff;
	v3 =	vbroadcast v3, $0x0;
	_ =	sdelay $0x1  }
0x28e: {  	v3 =	vor.u32 v1, v3;
	_ =	sdelay $0x1  }
0x28f: {  	s3 =	sadd.s32 $0x4, s1  }
0x290: {  	v4 =	vmov s3  }
0x291: {  	[tilespmem:s0+$0xFFFFFFE0] =	vst v2;
	v2 =	vand.u32 $0x7C, v4  }
0x292: {  	v3 =	vld.idx.msk [tilespmem:v3+s22+$0x0], $0xffff;
	v2 =	vbroadcast v2, $0x0;
	_ =	sdelay $0x1  }
0x293: {  	v2 =	vor.u32 v1, v2;
	_ =	sdelay $0x1  }
0x294: {  	s3 =	sadd.s32 $0x5, s1  }
0x295: {  	v4 =	vmov s3  }
0x296: {  	[tilespmem:s0+$0xFFFFFFF0] =	vst v3;
	v3 =	vand.u32 $0x7D, v4  }
0x297: {  	v2 =	vld.idx.msk [tilespmem:v2+s22+$0x0], $0xffff;
	v3 =	vbroadcast v3, $0x0;
	_ =	sdelay $0x1  }
0x298: {  	v3 =	vor.u32 v1, v3;
	_ =	sdelay $0x1  }
0x299: {  	s3 =	sadd.s32 $0x6, s1  }
0x29a: {  	v4 =	vmov s3  }
0x29b: {  	[tilespmem:s0+$0x0] =	vst v2;
	v2 =	vand.u32 $0x7E, v4  }
0x29c: {  	v3 =	vld.idx.msk [tilespmem:v3+s22+$0x0], $0xffff;
	v2 =	vbroadcast v2, $0x0;
	_ =	sdelay $0x1  }
0x29d: {  	v2 =	vor.u32 v1, v2;
	_ =	sdelay $0x1  }
0x29e: {  	s3 =	sadd.s32 $0x7, s1;
	s1 =	smov.u32 s2  }
0x29f: {  	v4 =	vmov s3  }
0x2a0: {  	[tilespmem:s0+$0x10] =	vst v3;
	v3 =	vand.u32 $0x7F, v4  }
0x2a1: {  	v2 =	vld.idx.msk [tilespmem:v2+s22+$0x0], $0xffff;
	v3 =	vbroadcast v3, $0x0  }
.Ltmp7:
0x2a2: {  	(pc) =	sbr.rel @p1 .LBB2_11-.Ltmp7, $2  }
0x2a3: {  	v3 =	vor.u32 v1, v3;
	_ =	sdelay $0x2  }
0x2a4: {  	s2 =	sadd.s32 $0x8, s2;
	v4 =	vmov s1  }
0x2a5: {  	_ =	sdelay $0x1  }
0x2a6: {  	v4 =	vand.u32 $0x78, v4  }
0x2a7: {  	[tilespmem:s0+$0x20] =	vst v2;
	v2 =	vbroadcast v4, $0x0  }
0x2a8: {  	v3 =	vld.idx.msk [tilespmem:v3+s22+$0x0], $0xffff  }
0x2a9: {  	v2 =	vor.u32 v1, v2  }
0x2aa: {  	s2 =	sadd.s32 $0x1, s1  }
0x2ab: {  	v57 =	vmov s2  }
0x2ac: {  	v4 =	vand.u32 $0x79, v57  }
0x2ad: {  	[tilespmem:s0+$0x30] =	vst v3;
	v3 =	vbroadcast v4, $0x0  }
0x2ae: {  	v2 =	vld.idx.msk [tilespmem:v2+s22+$0x0], $0xffff  }
0x2af: {  	v3 =	vor.u32 v1, v3  }
0x2b0: {  	s21 =	sadd.s32 $0x2, s1  }
0x2b1: {  	v58 =	vmov s21  }
0x2b2: {  	s23 =	sadd.s32 $0x80, s0;
	v4 =	vand.u32 $0x7A, v58  }
0x2b3: {  	[tilespmem:s23+$0xFFFFFFC0] =	vst v2;
	v2 =	vbroadcast v4, $0x0  }
0x2b4: {  	v3 =	vld.idx.msk [tilespmem:v3+s22+$0x0], $0xffff  }
0x2b5: {  	v2 =	vor.u32 v1, v2  }
0x2b6: {  	s24 =	sadd.s32 $0x3, s1  }
0x2b7: {  	v59 =	vmov s24  }
0x2b8: {  	v4 =	vand.u32 $0x7B, v59  }
0x2b9: {  	[tilespmem:s23+$0xFFFFFFD0] =	vst v3;
	v3 =	vbroadcast v4, $0x0  }
0x2ba: {  	v2 =	vld.idx.msk [tilespmem:v2+s22+$0x0], $0xffff  }
0x2bb: {  	v3 =	vor.u32 v1, v3  }
0x2bc: {  	s25 =	sadd.s32 $0x4, s1  }
0x2bd: {  	v60 =	vmov s25  }
0x2be: {  	v4 =	vand.u32 $0x7C, v60  }
0x2bf: {  	[tilespmem:s23+$0xFFFFFFE0] =	vst v2;
	v2 =	vbroadcast v4, $0x0  }
0x2c0: {  	v3 =	vld.idx.msk [tilespmem:v3+s22+$0x0], $0xffff  }
0x2c1: {  	v2 =	vor.u32 v1, v2  }
0x2c2: {  	s26 =	sadd.s32 $0x5, s1  }
0x2c3: {  	v61 =	vmov s26  }
0x2c4: {  	v4 =	vand.u32 $0x7D, v61  }
0x2c5: {  	[tilespmem:s23+$0xFFFFFFF0] =	vst v3;
	v3 =	vbroadcast v4, $0x0  }
0x2c6: {  	v2 =	vld.idx.msk [tilespmem:v2+s22+$0x0], $0xffff  }
0x2c7: {  	v3 =	vor.u32 v1, v3  }
0x2c8: {  	s28 =	sadd.s32 $0x6, s1  }
0x2c9: {  	v62 =	vmov s28  }
0x2ca: {  	v4 =	vand.u32 $0x7E, v62  }
0x2cb: {  	[tilespmem:s23+$0x0] =	vst v2;
	v2 =	vbroadcast v4, $0x0  }
0x2cc: {  	v3 =	vld.idx.msk [tilespmem:v3+s22+$0x0], $0xffff  }
0x2cd: {  	v2 =	vor.u32 v1, v2  }
0x2ce: {  	s30 =	sadd.s32 $0x7, s1  }
0x2cf: {  	v63 =	vmov s30  }
0x2d0: {  	v4 =	vand.u32 $0x7F, v63  }
0x2d1: {  	[tilespmem:s23+$0x10] =	vst v3;
	v3 =	vbroadcast v4, $0x0  }
0x2d2: {  	v2 =	vld.idx.msk [tilespmem:v2+s22+$0x0], $0xffff  }
0x2d3: {  	v3 =	vor.u32 v1, v3;
	_ =	sdelay $0x3  }
0x2d4: {  	[tilespmem:s23+$0x20] =	vst v2  }
0x2d5: {  	v2 =	vld.idx.msk [tilespmem:v3+s22+$0x0], $0xffff;
	_ =	sdelay $0x4  }
.Ltmp8:
0x2d6: {  	s31 =	rddreg [dreg:$0x9];
	[tilespmem:s23+$0x30] =	vst v2;
	(pc) =	sbr.rel .LBB2_13-.Ltmp8, $4  }
0x2d7: {  	[hbm4b:s31+s5] =	stream.linear.scatter [tilespmem:s17], [sflag:$0x3], $0x400, $0x38;
	[tilespmem:$0xA800] =	vst v63  }
0x2d8: {  	_ =	swait.ge [sflag:s29], $0x400  }
0x2d9: {  	[sflag:s29] =	ssyncset.done $0x0  }
0x2da: {  	s1 =	rddreg [dreg:$0xb];
	[sflag:s29] =	ssyncadd.s32 $0xFFFFFC00  }
.LBB2_14:
0x2db: {  	_ =	sfence.sel $0x180000  }
0x2dc: {  	[bflag:$0x0] =	sbarrier.arrive $0xFFFF  }
0x2dd: {  	_ =	strace $0x90000047  }
0x2de: {  	s0 =	stileid.u32;
	[bflag:$0x2] =	sbarrier.arrive $0xFFFF  }
0x2df: {  	p0 =	sne.s32 s0, $0x0;
	s0 =	rddreg [dreg:$0x3]  }
0x2e0: {  	s0 =	sadd.s32 @!p0 $0x100000, s0  }
0x2e1: {  	[sflag:s0] =	ssyncadd.tile.s32 @!p0 $0x1;
	_ =	shalt  }
.Lfunc_end2:
_tile_overlayer_lowered:
.L_overlay_start_2:
0x2e2: {  	(tag) =	ssettag $0x2  }
0x2e3: {  	s0 =	rddreg [dreg:$0x0];
	s2 =	stileid.u32  }
0x2e4: {  	s1 =	rddreg [dreg:$0x1];
	p0 =	sne.s32 s2, $0x0  }
0x2e5: {  	s3 =	rddreg [dreg:$0x2];
	[bflag:$0x3] =	sbarrier.arrive $0xFFFF;
	s2 =	simm.s32 @!p0 $0x1C05  }
0x2e6: {  	[timem:s3], [sflag:s2] =	dma.local @!p0 [hbm:s0], s1  }
0x2e7: {  	s0 =	simm.s32 @!p0 $0x5  }
0x2e8: {  	_ =	swait.ge @!p0 [sflag:s0], s1  }
0x2e9: {  	s1 =	ssub.s32 @!p0 $0x0, s1;
	[sflag:s0] =	ssyncset.done @!p0 $0x0  }
0x2ea: {  	[sflag:s0] =	ssyncadd.s32 @!p0 s1  }
0x2eb: {  	[bflag:$0x3] =	sbarrier.arrive $0xFFFF  }
0x2ec: {  	_ =	shalt  }

</sc_bundles>
